<compile_context>
chip_gen: v7x
topology: tpu7x:2x2x1
jax: 0.10.2.dev20260603
libtpu: 0.0.44.dev20260713+nightly
codegen_flags: <defaults>
</compile_context>

<pallas_src>
import functools

import jax
import jax.numpy as jnp
from jax import lax
from jax.experimental import pallas as pl
from jax.experimental.pallas import tpu as pltpu
from jax.experimental.pallas import tpu_sc as plsc

_N_EMBED = 64
_BATCH = 16384
_N_SAMPLES = 5
_NC, _NS = 2, 16
_NW = _NC * _NS
_CHUNK = 128
_SUPER = 512
_NBUF = 3

_B_IN = _BATCH // _NW
_B_NZ = _BATCH * _N_SAMPLES // _NW
_C_IN = _B_IN // _CHUNK
_C_NZ = _B_NZ // _CHUNK
_S_IN = _B_IN // _SUPER
_S_NZ = _B_NZ // _SUPER
_NTASK = 2 * _S_IN + _S_NZ


def _sg_body(in_table, out_table, idx_in, idx_out, idx_nz,
             o_in, o_out, o_nz, v_in, v_out, v_nz,
             b0, b1, b2, g0, g1, g2, s0, s1, s2):
    wid = lax.axis_index("s") * _NC + lax.axis_index("c")
    bufs = (b0, b1, b2)
    gsems = (g0, g1, g2)
    ssems = (s0, s1, s2)

    pltpu.sync_copy(idx_in.at[wid], v_in)
    pltpu.sync_copy(idx_out.at[wid], v_out)
    pltpu.sync_copy(idx_nz.at[wid], v_nz)

    tasks = []
    for s in range(_S_IN):
        tasks.append((in_table, v_in, 4 * s, o_in, wid * _B_IN + s * _SUPER))
    for s in range(_S_IN):
        tasks.append((out_table, v_out, 4 * s, o_out, wid * _B_IN + s * _SUPER))
    for s in range(_S_NZ):
        tasks.append((out_table, v_nz, 4 * s, o_nz, wid * _B_NZ + s * _SUPER))

    def fire_gathers(t):
        table, vidx, crow, _, _ = tasks[t]
        b = t % _NBUF
        return [
            pltpu.async_copy(
                table.at[vidx.at[crow + k]],
                bufs[b].at[pl.ds(k * _CHUNK, _CHUNK)],
                gsems[b],
            )
            for k in range(4)
        ]

    def fire_store(t):
        _, _, _, out, orow = tasks[t]
        b = t % _NBUF
        return pltpu.async_copy(bufs[b], out.at[pl.ds(orow, _SUPER)], ssems[b])

    gd = [None] * _NTASK
    sd = [None] * _NTASK
    gd[0] = fire_gathers(0)
    gd[1] = fire_gathers(1)
    for t in range(_NTASK):
        for d in gd[t]:
            d.wait()
        sd[t] = fire_store(t)
        u = t + 2
        if u < _NTASK:
            if u >= _NBUF:
                sd[u - _NBUF].wait()
            gd[u] = fire_gathers(u)
    for t in range(_NTASK - _NBUF, _NTASK):
        sd[t].wait()


@jax.jit
def _sg_gather(iw, ow, nz, in_table, out_table):
    mesh = plsc.VectorSubcoreMesh(core_axis_name="c", subcore_axis_name="s")
    f = functools.partial(
        pl.kernel,
        mesh=mesh,
        compiler_params=pltpu.CompilerParams(use_tc_tiling_on_sc=False),
        out_type=(
            jax.ShapeDtypeStruct((_BATCH, _N_EMBED), jnp.float32),
            jax.ShapeDtypeStruct((_BATCH, _N_EMBED), jnp.float32),
            jax.ShapeDtypeStruct((_BATCH * _N_SAMPLES, _N_EMBED), jnp.float32),
        ),
        scratch_types=[
            pltpu.VMEM((_C_IN, _CHUNK), jnp.int32),
            pltpu.VMEM((_C_IN, _CHUNK), jnp.int32),
            pltpu.VMEM((_C_NZ, _CHUNK), jnp.int32),
            pltpu.VMEM((_SUPER, _N_EMBED), jnp.float32),
            pltpu.VMEM((_SUPER, _N_EMBED), jnp.float32),
            pltpu.VMEM((_SUPER, _N_EMBED), jnp.float32),
            pltpu.SemaphoreType.DMA,
            pltpu.SemaphoreType.DMA,
            pltpu.SemaphoreType.DMA,
            pltpu.SemaphoreType.DMA,
            pltpu.SemaphoreType.DMA,
            pltpu.SemaphoreType.DMA,
        ],
    )(_sg_body)
    return f(in_table, out_table, iw, ow, nz)


def kernel(input_words, output_words, noise_words, in_table, out_table):
    iw = input_words.astype(jnp.int32).reshape(_NW, _C_IN, _CHUNK)
    ow = output_words.astype(jnp.int32).reshape(_NW, _C_IN, _CHUNK)
    nz = noise_words.astype(jnp.int32).reshape(_NW, _C_NZ, _CHUNK)
    iv, ov, nv = _sg_gather(iw, ow, nz, in_table, out_table)
    return iv, ov, nv.reshape(_BATCH, _N_SAMPLES, _N_EMBED)

# --- scband reference (transcript-rebuilt; emitter-appended) ---
"""Pipeline reference for scband-skip-gram-neg-35287451304397 (READ-ONLY COPY).

The authoritative reference and input builder live on the scoring server;
editing this copy changes nothing except your own understanding.
"""

import jax, jax.numpy as jnp
import numpy as np

N_VOCAB = 1000000
N_EMBED = 64
BATCH = 16384
N_SAMPLES = 5


def setup_inputs(seed: int = 0) -> dict:
    key = jax.random.key(seed)
    k1, k2, k3, k4, k5 = jax.random.split(key, 5)
    input_words = jax.random.randint(k1, (BATCH,), 0, N_VOCAB, dtype=jnp.int64) if jax.config.jax_enable_x64 else jax.random.randint(k1, (BATCH,), 0, N_VOCAB)
    output_words = jax.random.randint(k2, (BATCH,), 0, N_VOCAB)
    noise_words = jax.random.randint(k3, (BATCH * N_SAMPLES,), 0, N_VOCAB)
    # learned parameters: in_embed / out_embed weights, init uniform(-1, 1) as in the torch module
    in_table = jax.random.uniform(k4, (N_VOCAB, N_EMBED), minval=-1.0, maxval=1.0, dtype=jnp.float32)
    out_table = jax.random.uniform(k5, (N_VOCAB, N_EMBED), minval=-1.0, maxval=1.0, dtype=jnp.float32)
    return {
        "input_words": input_words,
        "output_words": output_words,
        "noise_words": noise_words,
        "in_table": in_table,
        "out_table": out_table,
    }


def reference(input_words, output_words, noise_words, in_table, out_table):
    # forward_input: in_embed(input_words)
    input_vectors = jnp.take(in_table, input_words, axis=0)
    # forward_target: out_embed(output_words)
    output_vectors = jnp.take(out_table, output_words, axis=0)
    # forward_noise: out_embed(noise_words).view(batch, n_samples, n_embed)
    batch = input_words.shape[0]
    n_embed = in_table.shape[1]
    n_samples = noise_words.shape[0] // batch
    noise_vectors = jnp.take(out_table, noise_words, axis=0).reshape(batch, n_samples, n_embed)
    return (input_vectors, output_vectors, noise_vectors)

if __name__ == "__main__":
    import jax
    _d = setup_inputs()
    print(jax.jit(kernel)(*tuple(_d.values())))

</pallas_src>

<mosaic_0001>
#map = affine_map<(d0, d1) -> (0, 0)>
#map1 = affine_map<(d0, d1) -> (0, 0, 0)>
module attributes {stable_mosaic.version = 14 : i64} {
  func.func @_sg_body(%arg0: i32, %arg1: i32, %arg2: memref<1000000x64xf32, #tpu.memory_space<hbm>>, %arg3: memref<1000000x64xf32, #tpu.memory_space<hbm>>, %arg4: memref<32x4x128xi32, #tpu.memory_space<hbm>>, %arg5: memref<32x4x128xi32, #tpu.memory_space<hbm>>, %arg6: memref<32x20x128xi32, #tpu.memory_space<hbm>>, %arg7: memref<16384x64xf32, #tpu.memory_space<hbm>>, %arg8: memref<16384x64xf32, #tpu.memory_space<hbm>>, %arg9: memref<81920x64xf32, #tpu.memory_space<hbm>>, %arg10: memref<4x128xi32, #tpu.memory_space<vmem>>, %arg11: memref<4x128xi32, #tpu.memory_space<vmem>>, %arg12: memref<20x128xi32, #tpu.memory_space<vmem>>, %arg13: memref<512x64xf32, #tpu.memory_space<vmem>>, %arg14: memref<512x64xf32, #tpu.memory_space<vmem>>, %arg15: memref<512x64xf32, #tpu.memory_space<vmem>>, %arg16: memref<!tpu.dma_semaphore, #tpu.memory_space<semaphore_mem>>, %arg17: memref<!tpu.dma_semaphore, #tpu.memory_space<semaphore_mem>>, %arg18: memref<!tpu.dma_semaphore, #tpu.memory_space<semaphore_mem>>, %arg19: memref<!tpu.dma_semaphore, #tpu.memory_space<semaphore_mem>>, %arg20: memref<!tpu.dma_semaphore, #tpu.memory_space<semaphore_mem>>, %arg21: memref<!tpu.dma_semaphore, #tpu.memory_space<semaphore_mem>>) attributes {dimension_semantics = [#tpu.dimension_semantics<core_parallel>, #tpu.dimension_semantics<subcore_parallel>], iteration_bounds = array<i64: 2, 16>, scalar_prefetch = 0 : i64, scratch_operands = 12 : i64, tpu.core_type = #tpu.core_type<sc_vector_subcore>, window_params = [{transform_indices = #map}, {transform_indices = #map}, {transform_indices = #map1}, {transform_indices = #map1}, {transform_indices = #map1}, {transform_indices = #map}, {transform_indices = #map}, {transform_indices = #map}]} {
    %mul3A = arith.constant 2 : i32
    %mul3A_0 = arith.muli %arg1, %mul3A : i32
    %add3A = arith.addi %mul3A_0, %arg0 : i32
    "tpu.region"() ({
      %run_scoped3A = tpu.sem_alloc : memref<!tpu.dma_semaphore, #tpu.memory_space<semaphore_mem>>
      %dma_start3A_643 = arith.constant 0 : i32
      %dma_start3A_644 = arith.constant 0 : i32
      %dma_start3A_645 = tpu.memref_slice %arg4[%add3A, %dma_start3A_643, %dma_start3A_644] : memref<32x4x128xi32, #tpu.memory_space<hbm>> -> memref<1x4x128xi32, #tpu.memory_space<hbm>>
      %dma_start3A_646 = tpu.memref_squeeze %dma_start3A_645 : memref<1x4x128xi32, #tpu.memory_space<hbm>> -> memref<4x128xi32, #tpu.memory_space<hbm>>
      %dma_start3A_647 = arith.constant 0 : i32
      %dma_start3A_648 = arith.constant 0 : i32
      %dma_start3A_649 = tpu.memref_slice %arg4[%add3A, %dma_start3A_647, %dma_start3A_648] : memref<32x4x128xi32, #tpu.memory_space<hbm>> -> memref<1x4x128xi32, #tpu.memory_space<hbm>>
      %dma_start3A_650 = tpu.memref_squeeze %dma_start3A_649 : memref<1x4x128xi32, #tpu.memory_space<hbm>> -> memref<4x128xi32, #tpu.memory_space<hbm>>
      tpu.enqueue_dma source(%dma_start3A_650 : memref<4x128xi32, #tpu.memory_space<hbm>>) target(%arg10 : memref<4x128xi32, #tpu.memory_space<vmem>>) target_semaphore(%run_scoped3A : memref<!tpu.dma_semaphore, #tpu.memory_space<semaphore_mem>>)
      %dma_wait3A_651 = arith.constant 0 : i32
      %dma_wait3A_652 = arith.constant 0 : i32
      %dma_wait3A_653 = tpu.memref_slice %arg4[%add3A, %dma_wait3A_651, %dma_wait3A_652] : memref<32x4x128xi32, #tpu.memory_space<hbm>> -> memref<1x4x128xi32, #tpu.memory_space<hbm>>
      %dma_wait3A_654 = tpu.memref_squeeze %dma_wait3A_653 : memref<1x4x128xi32, #tpu.memory_space<hbm>> -> memref<4x128xi32, #tpu.memory_space<hbm>>
      %dma_wait3A_655 = arith.constant 0 : i32
      %dma_wait3A_656 = arith.constant 0 : i32
      %dma_wait3A_657 = tpu.memref_slice %arg4[%add3A, %dma_wait3A_655, %dma_wait3A_656] : memref<32x4x128xi32, #tpu.memory_space<hbm>> -> memref<1x4x128xi32, #tpu.memory_space<hbm>>
      %dma_wait3A_658 = tpu.memref_squeeze %dma_wait3A_657 : memref<1x4x128xi32, #tpu.memory_space<hbm>> -> memref<4x128xi32, #tpu.memory_space<hbm>>
      tpu.wait_dma2 semaphore(%run_scoped3A : memref<!tpu.dma_semaphore, #tpu.memory_space<semaphore_mem>>) src(%dma_wait3A_658 : memref<4x128xi32, #tpu.memory_space<hbm>>) dst(%arg10 : memref<4x128xi32, #tpu.memory_space<vmem>>)
      tpu.yield
    }) : () -> ()
    "tpu.region"() ({
      %run_scoped3A = tpu.sem_alloc : memref<!tpu.dma_semaphore, #tpu.memory_space<semaphore_mem>>
      %dma_start3A_643 = arith.constant 0 : i32
      %dma_start3A_644 = arith.constant 0 : i32
      %dma_start3A_645 = tpu.memref_slice %arg5[%add3A, %dma_start3A_643, %dma_start3A_644] : memref<32x4x128xi32, #tpu.memory_space<hbm>> -> memref<1x4x128xi32, #tpu.memory_space<hbm>>
      %dma_start3A_646 = tpu.memref_squeeze %dma_start3A_645 : memref<1x4x128xi32, #tpu.memory_space<hbm>> -> memref<4x128xi32, #tpu.memory_space<hbm>>
      %dma_start3A_647 = arith.constant 0 : i32
      %dma_start3A_648 = arith.constant 0 : i32
      %dma_start3A_649 = tpu.memref_slice %arg5[%add3A, %dma_start3A_647, %dma_start3A_648] : memref<32x4x128xi32, #tpu.memory_space<hbm>> -> memref<1x4x128xi32, #tpu.memory_space<hbm>>
      %dma_start3A_650 = tpu.memref_squeeze %dma_start3A_649 : memref<1x4x128xi32, #tpu.memory_space<hbm>> -> memref<4x128xi32, #tpu.memory_space<hbm>>
      tpu.enqueue_dma source(%dma_start3A_650 : memref<4x128xi32, #tpu.memory_space<hbm>>) target(%arg11 : memref<4x128xi32, #tpu.memory_space<vmem>>) target_semaphore(%run_scoped3A : memref<!tpu.dma_semaphore, #tpu.memory_space<semaphore_mem>>)
      %dma_wait3A_651 = arith.constant 0 : i32
      %dma_wait3A_652 = arith.constant 0 : i32
      %dma_wait3A_653 = tpu.memref_slice %arg5[%add3A, %dma_wait3A_651, %dma_wait3A_652] : memref<32x4x128xi32, #tpu.memory_space<hbm>> -> memref<1x4x128xi32, #tpu.memory_space<hbm>>
      %dma_wait3A_654 = tpu.memref_squeeze %dma_wait3A_653 : memref<1x4x128xi32, #tpu.memory_space<hbm>> -> memref<4x128xi32, #tpu.memory_space<hbm>>
      %dma_wait3A_655 = arith.constant 0 : i32
      %dma_wait3A_656 = arith.constant 0 : i32
      %dma_wait3A_657 = tpu.memref_slice %arg5[%add3A, %dma_wait3A_655, %dma_wait3A_656] : memref<32x4x128xi32, #tpu.memory_space<hbm>> -> memref<1x4x128xi32, #tpu.memory_space<hbm>>
      %dma_wait3A_658 = tpu.memref_squeeze %dma_wait3A_657 : memref<1x4x128xi32, #tpu.memory_space<hbm>> -> memref<4x128xi32, #tpu.memory_space<hbm>>
      tpu.wait_dma2 semaphore(%run_scoped3A : memref<!tpu.dma_semaphore, #tpu.memory_space<semaphore_mem>>) src(%dma_wait3A_658 : memref<4x128xi32, #tpu.memory_space<hbm>>) dst(%arg11 : memref<4x128xi32, #tpu.memory_space<vmem>>)
      tpu.yield
    }) : () -> ()
    "tpu.region"() ({
      %run_scoped3A = tpu.sem_alloc : memref<!tpu.dma_semaphore, #tpu.memory_space<semaphore_mem>>
      %dma_start3A_643 = arith.constant 0 : i32
      %dma_start3A_644 = arith.constant 0 : i32
      %dma_start3A_645 = tpu.memref_slice %arg6[%add3A, %dma_start3A_643, %dma_start3A_644] : memref<32x20x128xi32, #tpu.memory_space<hbm>> -> memref<1x20x128xi32, #tpu.memory_space<hbm>>
      %dma_start3A_646 = tpu.memref_squeeze %dma_start3A_645 : memref<1x20x128xi32, #tpu.memory_space<hbm>> -> memref<20x128xi32, #tpu.memory_space<hbm>>
      %dma_start3A_647 = arith.constant 0 : i32
      %dma_start3A_648 = arith.constant 0 : i32
      %dma_start3A_649 = tpu.memref_slice %arg6[%add3A, %dma_start3A_647, %dma_start3A_648] : memref<32x20x128xi32, #tpu.memory_space<hbm>> -> memref<1x20x128xi32, #tpu.memory_space<hbm>>
      %dma_start3A_650 = tpu.memref_squeeze %dma_start3A_649 : memref<1x20x128xi32, #tpu.memory_space<hbm>> -> memref<20x128xi32, #tpu.memory_space<hbm>>
      tpu.enqueue_dma source(%dma_start3A_650 : memref<20x128xi32, #tpu.memory_space<hbm>>) target(%arg12 : memref<20x128xi32, #tpu.memory_space<vmem>>) target_semaphore(%run_scoped3A : memref<!tpu.dma_semaphore, #tpu.memory_space<semaphore_mem>>)
      %dma_wait3A_651 = arith.constant 0 : i32
      %dma_wait3A_652 = arith.constant 0 : i32
      %dma_wait3A_653 = tpu.memref_slice %arg6[%add3A, %dma_wait3A_651, %dma_wait3A_652] : memref<32x20x128xi32, #tpu.memory_space<hbm>> -> memref<1x20x128xi32, #tpu.memory_space<hbm>>
      %dma_wait3A_654 = tpu.memref_squeeze %dma_wait3A_653 : memref<1x20x128xi32, #tpu.memory_space<hbm>> -> memref<20x128xi32, #tpu.memory_space<hbm>>
      %dma_wait3A_655 = arith.constant 0 : i32
      %dma_wait3A_656 = arith.constant 0 : i32
      %dma_wait3A_657 = tpu.memref_slice %arg6[%add3A, %dma_wait3A_655, %dma_wait3A_656] : memref<32x20x128xi32, #tpu.memory_space<hbm>> -> memref<1x20x128xi32, #tpu.memory_space<hbm>>
      %dma_wait3A_658 = tpu.memref_squeeze %dma_wait3A_657 : memref<1x20x128xi32, #tpu.memory_space<hbm>> -> memref<20x128xi32, #tpu.memory_space<hbm>>
      tpu.wait_dma2 semaphore(%run_scoped3A : memref<!tpu.dma_semaphore, #tpu.memory_space<semaphore_mem>>) src(%dma_wait3A_658 : memref<20x128xi32, #tpu.memory_space<hbm>>) dst(%arg12 : memref<20x128xi32, #tpu.memory_space<vmem>>)
      tpu.yield
    }) : () -> ()
    %mul3A_1 = arith.constant 512 : i32
    %mul3A_2 = arith.muli %add3A, %mul3A_1 : i32
    %add3A_3 = arith.constant 0 : i32
    %add3A_4 = arith.addi %mul3A_2, %add3A_3 : i32
    %mul3A_5 = arith.constant 512 : i32
    %mul3A_6 = arith.muli %add3A, %mul3A_5 : i32
    %add3A_7 = arith.constant 0 : i32
    %add3A_8 = arith.addi %mul3A_6, %add3A_7 : i32
    %mul3A_9 = arith.constant 2560 : i32
    %mul3A_10 = arith.muli %add3A, %mul3A_9 : i32
    %add3A_11 = arith.constant 0 : i32
    %add3A_12 = arith.addi %mul3A_10, %add3A_11 : i32
    %mul3A_13 = arith.constant 2560 : i32
    %mul3A_14 = arith.muli %add3A, %mul3A_13 : i32
    %add3A_15 = arith.constant 512 : i32
    %add3A_16 = arith.addi %mul3A_14, %add3A_15 : i32
    %mul3A_17 = arith.constant 2560 : i32
    %mul3A_18 = arith.muli %add3A, %mul3A_17 : i32
    %add3A_19 = arith.constant 1024 : i32
    %add3A_20 = arith.addi %mul3A_18, %add3A_19 : i32
    %mul3A_21 = arith.constant 2560 : i32
    %mul3A_22 = arith.muli %add3A, %mul3A_21 : i32
    %add3A_23 = arith.constant 1536 : i32
    %add3A_24 = arith.addi %mul3A_22, %add3A_23 : i32
    %mul3A_25 = arith.constant 2560 : i32
    %mul3A_26 = arith.muli %add3A, %mul3A_25 : i32
    %add3A_27 = arith.constant 2048 : i32
    %add3A_28 = arith.addi %mul3A_26, %add3A_27 : i32
    %dma_start3A = arith.constant 0 : i32
    %dma_start3A_29 = arith.constant 0 : i32
    %dma_start3A_30 = arith.constant 0 : i32
    %dma_start3A_31 = tpu.memref_slice %arg13[%dma_start3A_29, %dma_start3A_30] : memref<512x64xf32, #tpu.memory_space<vmem>> -> memref<128x64xf32, #tpu.memory_space<vmem>>
    %dma_start3A_32 = arith.constant 0 : i32
    %dma_start3A_33 = tpu.memref_slice %arg10[%dma_start3A, %dma_start3A_32] : memref<4x128xi32, #tpu.memory_space<vmem>> -> memref<1x128xi32, #tpu.memory_space<vmem>>
    %dma_start3A_34 = tpu.memref_squeeze %dma_start3A_33 : memref<1x128xi32, #tpu.memory_space<vmem>> -> memref<128xi32, #tpu.memory_space<vmem>>
    %dma_start3A_35 = arith.constant 0 : i32
    %dma_start3A_36 = arith.constant 0 : i32
    %dma_start3A_37 = tpu.memref_slice %arg2[%dma_start3A_35, %dma_start3A_36] : memref<1000000x64xf32, #tpu.memory_space<hbm>> -> memref<1000000x64xf32, #tpu.memory_space<hbm>>
    tpu.enqueue_indirect_dma source(%dma_start3A_37 : memref<1000000x64xf32, #tpu.memory_space<hbm>>) target(%dma_start3A_31 : memref<128x64xf32, #tpu.memory_space<vmem>>) offsets(%dma_start3A_34 : memref<128xi32, #tpu.memory_space<vmem>>) semaphore(%arg16 : memref<!tpu.dma_semaphore, #tpu.memory_space<semaphore_mem>>)
    %dma_start3A_38 = arith.constant 1 : i32
    %dma_start3A_39 = arith.constant 128 : i32
    %dma_start3A_40 = arith.constant 0 : i32
    %dma_start3A_41 = tpu.memref_slice %arg13[%dma_start3A_39, %dma_start3A_40] : memref<512x64xf32, #tpu.memory_space<vmem>> -> memref<128x64xf32, #tpu.memory_space<vmem>>
    %dma_start3A_42 = arith.constant 0 : i32
    %dma_start3A_43 = tpu.memref_slice %arg10[%dma_start3A_38, %dma_start3A_42] : memref<4x128xi32, #tpu.memory_space<vmem>> -> memref<1x128xi32, #tpu.memory_space<vmem>>
    %dma_start3A_44 = tpu.memref_squeeze %dma_start3A_43 : memref<1x128xi32, #tpu.memory_space<vmem>> -> memref<128xi32, #tpu.memory_space<vmem>>
    %dma_start3A_45 = arith.constant 0 : i32
    %dma_start3A_46 = arith.constant 0 : i32
    %dma_start3A_47 = tpu.memref_slice %arg2[%dma_start3A_45, %dma_start3A_46] : memref<1000000x64xf32, #tpu.memory_space<hbm>> -> memref<1000000x64xf32, #tpu.memory_space<hbm>>
    tpu.enqueue_indirect_dma source(%dma_start3A_47 : memref<1000000x64xf32, #tpu.memory_space<hbm>>) target(%dma_start3A_41 : memref<128x64xf32, #tpu.memory_space<vmem>>) offsets(%dma_start3A_44 : memref<128xi32, #tpu.memory_space<vmem>>) semaphore(%arg16 : memref<!tpu.dma_semaphore, #tpu.memory_space<semaphore_mem>>)
    %dma_start3A_48 = arith.constant 2 : i32
    %dma_start3A_49 = arith.constant 256 : i32
    %dma_start3A_50 = arith.constant 0 : i32
    %dma_start3A_51 = tpu.memref_slice %arg13[%dma_start3A_49, %dma_start3A_50] : memref<512x64xf32, #tpu.memory_space<vmem>> -> memref<128x64xf32, #tpu.memory_space<vmem>>
    %dma_start3A_52 = arith.constant 0 : i32
    %dma_start3A_53 = tpu.memref_slice %arg10[%dma_start3A_48, %dma_start3A_52] : memref<4x128xi32, #tpu.memory_space<vmem>> -> memref<1x128xi32, #tpu.memory_space<vmem>>
    %dma_start3A_54 = tpu.memref_squeeze %dma_start3A_53 : memref<1x128xi32, #tpu.memory_space<vmem>> -> memref<128xi32, #tpu.memory_space<vmem>>
    %dma_start3A_55 = arith.constant 0 : i32
    %dma_start3A_56 = arith.constant 0 : i32
    %dma_start3A_57 = tpu.memref_slice %arg2[%dma_start3A_55, %dma_start3A_56] : memref<1000000x64xf32, #tpu.memory_space<hbm>> -> memref<1000000x64xf32, #tpu.memory_space<hbm>>
    tpu.enqueue_indirect_dma source(%dma_start3A_57 : memref<1000000x64xf32, #tpu.memory_space<hbm>>) target(%dma_start3A_51 : memref<128x64xf32, #tpu.memory_space<vmem>>) offsets(%dma_start3A_54 : memref<128xi32, #tpu.memory_space<vmem>>) semaphore(%arg16 : memref<!tpu.dma_semaphore, #tpu.memory_space<semaphore_mem>>)
    %dma_start3A_58 = arith.constant 3 : i32
    %dma_start3A_59 = arith.constant 384 : i32
    %dma_start3A_60 = arith.constant 0 : i32
    %dma_start3A_61 = tpu.memref_slice %arg13[%dma_start3A_59, %dma_start3A_60] : memref<512x64xf32, #tpu.memory_space<vmem>> -> memref<128x64xf32, #tpu.memory_space<vmem>>
    %dma_start3A_62 = arith.constant 0 : i32
    %dma_start3A_63 = tpu.memref_slice %arg10[%dma_start3A_58, %dma_start3A_62] : memref<4x128xi32, #tpu.memory_space<vmem>> -> memref<1x128xi32, #tpu.memory_space<vmem>>
    %dma_start3A_64 = tpu.memref_squeeze %dma_start3A_63 : memref<1x128xi32, #tpu.memory_space<vmem>> -> memref<128xi32, #tpu.memory_space<vmem>>
    %dma_start3A_65 = arith.constant 0 : i32
    %dma_start3A_66 = arith.constant 0 : i32
    %dma_start3A_67 = tpu.memref_slice %arg2[%dma_start3A_65, %dma_start3A_66] : memref<1000000x64xf32, #tpu.memory_space<hbm>> -> memref<1000000x64xf32, #tpu.memory_space<hbm>>
    tpu.enqueue_indirect_dma source(%dma_start3A_67 : memref<1000000x64xf32, #tpu.memory_space<hbm>>) target(%dma_start3A_61 : memref<128x64xf32, #tpu.memory_space<vmem>>) offsets(%dma_start3A_64 : memref<128xi32, #tpu.memory_space<vmem>>) semaphore(%arg16 : memref<!tpu.dma_semaphore, #tpu.memory_space<semaphore_mem>>)
    %dma_start3A_68 = arith.constant 0 : i32
    %dma_start3A_69 = arith.constant 0 : i32
    %dma_start3A_70 = arith.constant 0 : i32
    %dma_start3A_71 = tpu.memref_slice %arg14[%dma_start3A_69, %dma_start3A_70] : memref<512x64xf32, #tpu.memory_space<vmem>> -> memref<128x64xf32, #tpu.memory_space<vmem>>
    %dma_start3A_72 = arith.constant 0 : i32
    %dma_start3A_73 = tpu.memref_slice %arg11[%dma_start3A_68, %dma_start3A_72] : memref<4x128xi32, #tpu.memory_space<vmem>> -> memref<1x128xi32, #tpu.memory_space<vmem>>
    %dma_start3A_74 = tpu.memref_squeeze %dma_start3A_73 : memref<1x128xi32, #tpu.memory_space<vmem>> -> memref<128xi32, #tpu.memory_space<vmem>>
    %dma_start3A_75 = arith.constant 0 : i32
    %dma_start3A_76 = arith.constant 0 : i32
    %dma_start3A_77 = tpu.memref_slice %arg3[%dma_start3A_75, %dma_start3A_76] : memref<1000000x64xf32, #tpu.memory_space<hbm>> -> memref<1000000x64xf32, #tpu.memory_space<hbm>>
    tpu.enqueue_indirect_dma source(%dma_start3A_77 : memref<1000000x64xf32, #tpu.memory_space<hbm>>) target(%dma_start3A_71 : memref<128x64xf32, #tpu.memory_space<vmem>>) offsets(%dma_start3A_74 : memref<128xi32, #tpu.memory_space<vmem>>) semaphore(%arg17 : memref<!tpu.dma_semaphore, #tpu.memory_space<semaphore_mem>>)
    %dma_start3A_78 = arith.constant 1 : i32
    %dma_start3A_79 = arith.constant 128 : i32
    %dma_start3A_80 = arith.constant 0 : i32
    %dma_start3A_81 = tpu.memref_slice %arg14[%dma_start3A_79, %dma_start3A_80] : memref<512x64xf32, #tpu.memory_space<vmem>> -> memref<128x64xf32, #tpu.memory_space<vmem>>
    %dma_start3A_82 = arith.constant 0 : i32
    %dma_start3A_83 = tpu.memref_slice %arg11[%dma_start3A_78, %dma_start3A_82] : memref<4x128xi32, #tpu.memory_space<vmem>> -> memref<1x128xi32, #tpu.memory_space<vmem>>
    %dma_start3A_84 = tpu.memref_squeeze %dma_start3A_83 : memref<1x128xi32, #tpu.memory_space<vmem>> -> memref<128xi32, #tpu.memory_space<vmem>>
    %dma_start3A_85 = arith.constant 0 : i32
    %dma_start3A_86 = arith.constant 0 : i32
    %dma_start3A_87 = tpu.memref_slice %arg3[%dma_start3A_85, %dma_start3A_86] : memref<1000000x64xf32, #tpu.memory_space<hbm>> -> memref<1000000x64xf32, #tpu.memory_space<hbm>>
    tpu.enqueue_indirect_dma source(%dma_start3A_87 : memref<1000000x64xf32, #tpu.memory_space<hbm>>) target(%dma_start3A_81 : memref<128x64xf32, #tpu.memory_space<vmem>>) offsets(%dma_start3A_84 : memref<128xi32, #tpu.memory_space<vmem>>) semaphore(%arg17 : memref<!tpu.dma_semaphore, #tpu.memory_space<semaphore_mem>>)
    %dma_start3A_88 = arith.constant 2 : i32
    %dma_start3A_89 = arith.constant 256 : i32
    %dma_start3A_90 = arith.constant 0 : i32
    %dma_start3A_91 = tpu.memref_slice %arg14[%dma_start3A_89, %dma_start3A_90] : memref<512x64xf32, #tpu.memory_space<vmem>> -> memref<128x64xf32, #tpu.memory_space<vmem>>
    %dma_start3A_92 = arith.constant 0 : i32
    %dma_start3A_93 = tpu.memref_slice %arg11[%dma_start3A_88, %dma_start3A_92] : memref<4x128xi32, #tpu.memory_space<vmem>> -> memref<1x128xi32, #tpu.memory_space<vmem>>
    %dma_start3A_94 = tpu.memref_squeeze %dma_start3A_93 : memref<1x128xi32, #tpu.memory_space<vmem>> -> memref<128xi32, #tpu.memory_space<vmem>>
    %dma_start3A_95 = arith.constant 0 : i32
    %dma_start3A_96 = arith.constant 0 : i32
    %dma_start3A_97 = tpu.memref_slice %arg3[%dma_start3A_95, %dma_start3A_96] : memref<1000000x64xf32, #tpu.memory_space<hbm>> -> memref<1000000x64xf32, #tpu.memory_space<hbm>>
    tpu.enqueue_indirect_dma source(%dma_start3A_97 : memref<1000000x64xf32, #tpu.memory_space<hbm>>) target(%dma_start3A_91 : memref<128x64xf32, #tpu.memory_space<vmem>>) offsets(%dma_start3A_94 : memref<128xi32, #tpu.memory_space<vmem>>) semaphore(%arg17 : memref<!tpu.dma_semaphore, #tpu.memory_space<semaphore_mem>>)
    %dma_start3A_98 = arith.constant 3 : i32
    %dma_start3A_99 = arith.constant 384 : i32
    %dma_start3A_100 = arith.constant 0 : i32
    %dma_start3A_101 = tpu.memref_slice %arg14[%dma_start3A_99, %dma_start3A_100] : memref<512x64xf32, #tpu.memory_space<vmem>> -> memref<128x64xf32, #tpu.memory_space<vmem>>
    %dma_start3A_102 = arith.constant 0 : i32
    %dma_start3A_103 = tpu.memref_slice %arg11[%dma_start3A_98, %dma_start3A_102] : memref<4x128xi32, #tpu.memory_space<vmem>> -> memref<1x128xi32, #tpu.memory_space<vmem>>
    %dma_start3A_104 = tpu.memref_squeeze %dma_start3A_103 : memref<1x128xi32, #tpu.memory_space<vmem>> -> memref<128xi32, #tpu.memory_space<vmem>>
    %dma_start3A_105 = arith.constant 0 : i32
    %dma_start3A_106 = arith.constant 0 : i32
    %dma_start3A_107 = tpu.memref_slice %arg3[%dma_start3A_105, %dma_start3A_106] : memref<1000000x64xf32, #tpu.memory_space<hbm>> -> memref<1000000x64xf32, #tpu.memory_space<hbm>>
    tpu.enqueue_indirect_dma source(%dma_start3A_107 : memref<1000000x64xf32, #tpu.memory_space<hbm>>) target(%dma_start3A_101 : memref<128x64xf32, #tpu.memory_space<vmem>>) offsets(%dma_start3A_104 : memref<128xi32, #tpu.memory_space<vmem>>) semaphore(%arg17 : memref<!tpu.dma_semaphore, #tpu.memory_space<semaphore_mem>>)
    %dma_wait3A = arith.constant 0 : i32
    %dma_wait3A_108 = arith.constant 0 : i32
    %dma_wait3A_109 = arith.constant 0 : i32
    %dma_wait3A_110 = tpu.memref_slice %arg13[%dma_wait3A_108, %dma_wait3A_109] : memref<512x64xf32, #tpu.memory_space<vmem>> -> memref<128x64xf32, #tpu.memory_space<vmem>>
    %dma_wait3A_111 = arith.constant 0 : i32
    %dma_wait3A_112 = tpu.memref_slice %arg10[%dma_wait3A, %dma_wait3A_111] : memref<4x128xi32, #tpu.memory_space<vmem>> -> memref<1x128xi32, #tpu.memory_space<vmem>>
    %dma_wait3A_113 = tpu.memref_squeeze %dma_wait3A_112 : memref<1x128xi32, #tpu.memory_space<vmem>> -> memref<128xi32, #tpu.memory_space<vmem>>
    %dma_wait3A_114 = arith.constant 0 : i32
    %dma_wait3A_115 = arith.constant 0 : i32
    %dma_wait3A_116 = tpu.memref_slice %arg2[%dma_wait3A_114, %dma_wait3A_115] : memref<1000000x64xf32, #tpu.memory_space<hbm>> -> memref<1000000x64xf32, #tpu.memory_space<hbm>>
    tpu.wait_indirect_dma semaphore(%arg16 : memref<!tpu.dma_semaphore, #tpu.memory_space<semaphore_mem>>) src(%dma_wait3A_116 : memref<1000000x64xf32, #tpu.memory_space<hbm>>) dst(%dma_wait3A_110 : memref<128x64xf32, #tpu.memory_space<vmem>>)
    %dma_wait3A_117 = arith.constant 1 : i32
    %dma_wait3A_118 = arith.constant 128 : i32
    %dma_wait3A_119 = arith.constant 0 : i32
    %dma_wait3A_120 = tpu.memref_slice %arg13[%dma_wait3A_118, %dma_wait3A_119] : memref<512x64xf32, #tpu.memory_space<vmem>> -> memref<128x64xf32, #tpu.memory_space<vmem>>
    %dma_wait3A_121 = arith.constant 0 : i32
    %dma_wait3A_122 = tpu.memref_slice %arg10[%dma_wait3A_117, %dma_wait3A_121] : memref<4x128xi32, #tpu.memory_space<vmem>> -> memref<1x128xi32, #tpu.memory_space<vmem>>
    %dma_wait3A_123 = tpu.memref_squeeze %dma_wait3A_122 : memref<1x128xi32, #tpu.memory_space<vmem>> -> memref<128xi32, #tpu.memory_space<vmem>>
    %dma_wait3A_124 = arith.constant 0 : i32
    %dma_wait3A_125 = arith.constant 0 : i32
    %dma_wait3A_126 = tpu.memref_slice %arg2[%dma_wait3A_124, %dma_wait3A_125] : memref<1000000x64xf32, #tpu.memory_space<hbm>> -> memref<1000000x64xf32, #tpu.memory_space<hbm>>
    tpu.wait_indirect_dma semaphore(%arg16 : memref<!tpu.dma_semaphore, #tpu.memory_space<semaphore_mem>>) src(%dma_wait3A_126 : memref<1000000x64xf32, #tpu.memory_space<hbm>>) dst(%dma_wait3A_120 : memref<128x64xf32, #tpu.memory_space<vmem>>)
    %dma_wait3A_127 = arith.constant 2 : i32
    %dma_wait3A_128 = arith.constant 256 : i32
    %dma_wait3A_129 = arith.constant 0 : i32
    %dma_wait3A_130 = tpu.memref_slice %arg13[%dma_wait3A_128, %dma_wait3A_129] : memref<512x64xf32, #tpu.memory_space<vmem>> -> memref<128x64xf32, #tpu.memory_space<vmem>>
    %dma_wait3A_131 = arith.constant 0 : i32
    %dma_wait3A_132 = tpu.memref_slice %arg10[%dma_wait3A_127, %dma_wait3A_131] : memref<4x128xi32, #tpu.memory_space<vmem>> -> memref<1x128xi32, #tpu.memory_space<vmem>>
    %dma_wait3A_133 = tpu.memref_squeeze %dma_wait3A_132 : memref<1x128xi32, #tpu.memory_space<vmem>> -> memref<128xi32, #tpu.memory_space<vmem>>
    %dma_wait3A_134 = arith.constant 0 : i32
    %dma_wait3A_135 = arith.constant 0 : i32
    %dma_wait3A_136 = tpu.memref_slice %arg2[%dma_wait3A_134, %dma_wait3A_135] : memref<1000000x64xf32, #tpu.memory_space<hbm>> -> memref<1000000x64xf32, #tpu.memory_space<hbm>>
    tpu.wait_indirect_dma semaphore(%arg16 : memref<!tpu.dma_semaphore, #tpu.memory_space<semaphore_mem>>) src(%dma_wait3A_136 : memref<1000000x64xf32, #tpu.memory_space<hbm>>) dst(%dma_wait3A_130 : memref<128x64xf32, #tpu.memory_space<vmem>>)
    %dma_wait3A_137 = arith.constant 3 : i32
    %dma_wait3A_138 = arith.constant 384 : i32
    %dma_wait3A_139 = arith.constant 0 : i32
    %dma_wait3A_140 = tpu.memref_slice %arg13[%dma_wait3A_138, %dma_wait3A_139] : memref<512x64xf32, #tpu.memory_space<vmem>> -> memref<128x64xf32, #tpu.memory_space<vmem>>
    %dma_wait3A_141 = arith.constant 0 : i32
    %dma_wait3A_142 = tpu.memref_slice %arg10[%dma_wait3A_137, %dma_wait3A_141] : memref<4x128xi32, #tpu.memory_space<vmem>> -> memref<1x128xi32, #tpu.memory_space<vmem>>
    %dma_wait3A_143 = tpu.memref_squeeze %dma_wait3A_142 : memref<1x128xi32, #tpu.memory_space<vmem>> -> memref<128xi32, #tpu.memory_space<vmem>>
    %dma_wait3A_144 = arith.constant 0 : i32
    %dma_wait3A_145 = arith.constant 0 : i32
    %dma_wait3A_146 = tpu.memref_slice %arg2[%dma_wait3A_144, %dma_wait3A_145] : memref<1000000x64xf32, #tpu.memory_space<hbm>> -> memref<1000000x64xf32, #tpu.memory_space<hbm>>
    tpu.wait_indirect_dma semaphore(%arg16 : memref<!tpu.dma_semaphore, #tpu.memory_space<semaphore_mem>>) src(%dma_wait3A_146 : memref<1000000x64xf32, #tpu.memory_space<hbm>>) dst(%dma_wait3A_140 : memref<128x64xf32, #tpu.memory_space<vmem>>)
    %dma_start3A_147 = arith.constant 0 : i32
    %dma_start3A_148 = tpu.memref_slice %arg7[%add3A_4, %dma_start3A_147] : memref<16384x64xf32, #tpu.memory_space<hbm>> -> memref<512x64xf32, #tpu.memory_space<hbm>>
    %dma_start3A_149 = arith.constant 0 : i32
    %dma_start3A_150 = tpu.memref_slice %arg7[%add3A_4, %dma_start3A_149] : memref<16384x64xf32, #tpu.memory_space<hbm>> -> memref<512x64xf32, #tpu.memory_space<hbm>>
    tpu.enqueue_dma source(%arg13 : memref<512x64xf32, #tpu.memory_space<vmem>>) target(%dma_start3A_150 : memref<512x64xf32, #tpu.memory_space<hbm>>) target_semaphore(%arg19 : memref<!tpu.dma_semaphore, #tpu.memory_space<semaphore_mem>>)
    %dma_start3A_151 = arith.constant 0 : i32
    %dma_start3A_152 = arith.constant 0 : i32
    %dma_start3A_153 = arith.constant 0 : i32
    %dma_start3A_154 = tpu.memref_slice %arg15[%dma_start3A_152, %dma_start3A_153] : memref<512x64xf32, #tpu.memory_space<vmem>> -> memref<128x64xf32, #tpu.memory_space<vmem>>
    %dma_start3A_155 = arith.constant 0 : i32
    %dma_start3A_156 = tpu.memref_slice %arg12[%dma_start3A_151, %dma_start3A_155] : memref<20x128xi32, #tpu.memory_space<vmem>> -> memref<1x128xi32, #tpu.memory_space<vmem>>
    %dma_start3A_157 = tpu.memref_squeeze %dma_start3A_156 : memref<1x128xi32, #tpu.memory_space<vmem>> -> memref<128xi32, #tpu.memory_space<vmem>>
    %dma_start3A_158 = arith.constant 0 : i32
    %dma_start3A_159 = arith.constant 0 : i32
    %dma_start3A_160 = tpu.memref_slice %arg3[%dma_start3A_158, %dma_start3A_159] : memref<1000000x64xf32, #tpu.memory_space<hbm>> -> memref<1000000x64xf32, #tpu.memory_space<hbm>>
    tpu.enqueue_indirect_dma source(%dma_start3A_160 : memref<1000000x64xf32, #tpu.memory_space<hbm>>) target(%dma_start3A_154 : memref<128x64xf32, #tpu.memory_space<vmem>>) offsets(%dma_start3A_157 : memref<128xi32, #tpu.memory_space<vmem>>) semaphore(%arg18 : memref<!tpu.dma_semaphore, #tpu.memory_space<semaphore_mem>>)
    %dma_start3A_161 = arith.constant 1 : i32
    %dma_start3A_162 = arith.constant 128 : i32
    %dma_start3A_163 = arith.constant 0 : i32
    %dma_start3A_164 = tpu.memref_slice %arg15[%dma_start3A_162, %dma_start3A_163] : memref<512x64xf32, #tpu.memory_space<vmem>> -> memref<128x64xf32, #tpu.memory_space<vmem>>
    %dma_start3A_165 = arith.constant 0 : i32
    %dma_start3A_166 = tpu.memref_slice %arg12[%dma_start3A_161, %dma_start3A_165] : memref<20x128xi32, #tpu.memory_space<vmem>> -> memref<1x128xi32, #tpu.memory_space<vmem>>
    %dma_start3A_167 = tpu.memref_squeeze %dma_start3A_166 : memref<1x128xi32, #tpu.memory_space<vmem>> -> memref<128xi32, #tpu.memory_space<vmem>>
    %dma_start3A_168 = arith.constant 0 : i32
    %dma_start3A_169 = arith.constant 0 : i32
    %dma_start3A_170 = tpu.memref_slice %arg3[%dma_start3A_168, %dma_start3A_169] : memref<1000000x64xf32, #tpu.memory_space<hbm>> -> memref<1000000x64xf32, #tpu.memory_space<hbm>>
    tpu.enqueue_indirect_dma source(%dma_start3A_170 : memref<1000000x64xf32, #tpu.memory_space<hbm>>) target(%dma_start3A_164 : memref<128x64xf32, #tpu.memory_space<vmem>>) offsets(%dma_start3A_167 : memref<128xi32, #tpu.memory_space<vmem>>) semaphore(%arg18 : memref<!tpu.dma_semaphore, #tpu.memory_space<semaphore_mem>>)
    %dma_start3A_171 = arith.constant 2 : i32
    %dma_start3A_172 = arith.constant 256 : i32
    %dma_start3A_173 = arith.constant 0 : i32
    %dma_start3A_174 = tpu.memref_slice %arg15[%dma_start3A_172, %dma_start3A_173] : memref<512x64xf32, #tpu.memory_space<vmem>> -> memref<128x64xf32, #tpu.memory_space<vmem>>
    %dma_start3A_175 = arith.constant 0 : i32
    %dma_start3A_176 = tpu.memref_slice %arg12[%dma_start3A_171, %dma_start3A_175] : memref<20x128xi32, #tpu.memory_space<vmem>> -> memref<1x128xi32, #tpu.memory_space<vmem>>
    %dma_start3A_177 = tpu.memref_squeeze %dma_start3A_176 : memref<1x128xi32, #tpu.memory_space<vmem>> -> memref<128xi32, #tpu.memory_space<vmem>>
    %dma_start3A_178 = arith.constant 0 : i32
    %dma_start3A_179 = arith.constant 0 : i32
    %dma_start3A_180 = tpu.memref_slice %arg3[%dma_start3A_178, %dma_start3A_179] : memref<1000000x64xf32, #tpu.memory_space<hbm>> -> memref<1000000x64xf32, #tpu.memory_space<hbm>>
    tpu.enqueue_indirect_dma source(%dma_start3A_180 : memref<1000000x64xf32, #tpu.memory_space<hbm>>) target(%dma_start3A_174 : memref<128x64xf32, #tpu.memory_space<vmem>>) offsets(%dma_start3A_177 : memref<128xi32, #tpu.memory_space<vmem>>) semaphore(%arg18 : memref<!tpu.dma_semaphore, #tpu.memory_space<semaphore_mem>>)
    %dma_start3A_181 = arith.constant 3 : i32
    %dma_start3A_182 = arith.constant 384 : i32
    %dma_start3A_183 = arith.constant 0 : i32
    %dma_start3A_184 = tpu.memref_slice %arg15[%dma_start3A_182, %dma_start3A_183] : memref<512x64xf32, #tpu.memory_space<vmem>> -> memref<128x64xf32, #tpu.memory_space<vmem>>
    %dma_start3A_185 = arith.constant 0 : i32
    %dma_start3A_186 = tpu.memref_slice %arg12[%dma_start3A_181, %dma_start3A_185] : memref<20x128xi32, #tpu.memory_space<vmem>> -> memref<1x128xi32, #tpu.memory_space<vmem>>
    %dma_start3A_187 = tpu.memref_squeeze %dma_start3A_186 : memref<1x128xi32, #tpu.memory_space<vmem>> -> memref<128xi32, #tpu.memory_space<vmem>>
    %dma_start3A_188 = arith.constant 0 : i32
    %dma_start3A_189 = arith.constant 0 : i32
    %dma_start3A_190 = tpu.memref_slice %arg3[%dma_start3A_188, %dma_start3A_189] : memref<1000000x64xf32, #tpu.memory_space<hbm>> -> memref<1000000x64xf32, #tpu.memory_space<hbm>>
    tpu.enqueue_indirect_dma source(%dma_start3A_190 : memref<1000000x64xf32, #tpu.memory_space<hbm>>) target(%dma_start3A_184 : memref<128x64xf32, #tpu.memory_space<vmem>>) offsets(%dma_start3A_187 : memref<128xi32, #tpu.memory_space<vmem>>) semaphore(%arg18 : memref<!tpu.dma_semaphore, #tpu.memory_space<semaphore_mem>>)
    %dma_wait3A_191 = arith.constant 0 : i32
    %dma_wait3A_192 = arith.constant 0 : i32
    %dma_wait3A_193 = arith.constant 0 : i32
    %dma_wait3A_194 = tpu.memref_slice %arg14[%dma_wait3A_192, %dma_wait3A_193] : memref<512x64xf32, #tpu.memory_space<vmem>> -> memref<128x64xf32, #tpu.memory_space<vmem>>
    %dma_wait3A_195 = arith.constant 0 : i32
    %dma_wait3A_196 = tpu.memref_slice %arg11[%dma_wait3A_191, %dma_wait3A_195] : memref<4x128xi32, #tpu.memory_space<vmem>> -> memref<1x128xi32, #tpu.memory_space<vmem>>
    %dma_wait3A_197 = tpu.memref_squeeze %dma_wait3A_196 : memref<1x128xi32, #tpu.memory_space<vmem>> -> memref<128xi32, #tpu.memory_space<vmem>>
    %dma_wait3A_198 = arith.constant 0 : i32
    %dma_wait3A_199 = arith.constant 0 : i32
    %dma_wait3A_200 = tpu.memref_slice %arg3[%dma_wait3A_198, %dma_wait3A_199] : memref<1000000x64xf32, #tpu.memory_space<hbm>> -> memref<1000000x64xf32, #tpu.memory_space<hbm>>
    tpu.wait_indirect_dma semaphore(%arg17 : memref<!tpu.dma_semaphore, #tpu.memory_space<semaphore_mem>>) src(%dma_wait3A_200 : memref<1000000x64xf32, #tpu.memory_space<hbm>>) dst(%dma_wait3A_194 : memref<128x64xf32, #tpu.memory_space<vmem>>)
    %dma_wait3A_201 = arith.constant 1 : i32
    %dma_wait3A_202 = arith.constant 128 : i32
    %dma_wait3A_203 = arith.constant 0 : i32
    %dma_wait3A_204 = tpu.memref_slice %arg14[%dma_wait3A_202, %dma_wait3A_203] : memref<512x64xf32, #tpu.memory_space<vmem>> -> memref<128x64xf32, #tpu.memory_space<vmem>>
    %dma_wait3A_205 = arith.constant 0 : i32
    %dma_wait3A_206 = tpu.memref_slice %arg11[%dma_wait3A_201, %dma_wait3A_205] : memref<4x128xi32, #tpu.memory_space<vmem>> -> memref<1x128xi32, #tpu.memory_space<vmem>>
    %dma_wait3A_207 = tpu.memref_squeeze %dma_wait3A_206 : memref<1x128xi32, #tpu.memory_space<vmem>> -> memref<128xi32, #tpu.memory_space<vmem>>
    %dma_wait3A_208 = arith.constant 0 : i32
    %dma_wait3A_209 = arith.constant 0 : i32
    %dma_wait3A_210 = tpu.memref_slice %arg3[%dma_wait3A_208, %dma_wait3A_209] : memref<1000000x64xf32, #tpu.memory_space<hbm>> -> memref<1000000x64xf32, #tpu.memory_space<hbm>>
    tpu.wait_indirect_dma semaphore(%arg17 : memref<!tpu.dma_semaphore, #tpu.memory_space<semaphore_mem>>) src(%dma_wait3A_210 : memref<1000000x64xf32, #tpu.memory_space<hbm>>) dst(%dma_wait3A_204 : memref<128x64xf32, #tpu.memory_space<vmem>>)
    %dma_wait3A_211 = arith.constant 2 : i32
    %dma_wait3A_212 = arith.constant 256 : i32
    %dma_wait3A_213 = arith.constant 0 : i32
    %dma_wait3A_214 = tpu.memref_slice %arg14[%dma_wait3A_212, %dma_wait3A_213] : memref<512x64xf32, #tpu.memory_space<vmem>> -> memref<128x64xf32, #tpu.memory_space<vmem>>
    %dma_wait3A_215 = arith.constant 0 : i32
    %dma_wait3A_216 = tpu.memref_slice %arg11[%dma_wait3A_211, %dma_wait3A_215] : memref<4x128xi32, #tpu.memory_space<vmem>> -> memref<1x128xi32, #tpu.memory_space<vmem>>
    %dma_wait3A_217 = tpu.memref_squeeze %dma_wait3A_216 : memref<1x128xi32, #tpu.memory_space<vmem>> -> memref<128xi32, #tpu.memory_space<vmem>>
    %dma_wait3A_218 = arith.constant 0 : i32
    %dma_wait3A_219 = arith.constant 0 : i32
    %dma_wait3A_220 = tpu.memref_slice %arg3[%dma_wait3A_218, %dma_wait3A_219] : memref<1000000x64xf32, #tpu.memory_space<hbm>> -> memref<1000000x64xf32, #tpu.memory_space<hbm>>
    tpu.wait_indirect_dma semaphore(%arg17 : memref<!tpu.dma_semaphore, #tpu.memory_space<semaphore_mem>>) src(%dma_wait3A_220 : memref<1000000x64xf32, #tpu.memory_space<hbm>>) dst(%dma_wait3A_214 : memref<128x64xf32, #tpu.memory_space<vmem>>)
    %dma_wait3A_221 = arith.constant 3 : i32
    %dma_wait3A_222 = arith.constant 384 : i32
    %dma_wait3A_223 = arith.constant 0 : i32
    %dma_wait3A_224 = tpu.memref_slice %arg14[%dma_wait3A_222, %dma_wait3A_223] : memref<512x64xf32, #tpu.memory_space<vmem>> -> memref<128x64xf32, #tpu.memory_space<vmem>>
    %dma_wait3A_225 = arith.constant 0 : i32
    %dma_wait3A_226 = tpu.memref_slice %arg11[%dma_wait3A_221, %dma_wait3A_225] : memref<4x128xi32, #tpu.memory_space<vmem>> -> memref<1x128xi32, #tpu.memory_space<vmem>>
    %dma_wait3A_227 = tpu.memref_squeeze %dma_wait3A_226 : memref<1x128xi32, #tpu.memory_space<vmem>> -> memref<128xi32, #tpu.memory_space<vmem>>
    %dma_wait3A_228 = arith.constant 0 : i32
    %dma_wait3A_229 = arith.constant 0 : i32
    %dma_wait3A_230 = tpu.memref_slice %arg3[%dma_wait3A_228, %dma_wait3A_229] : memref<1000000x64xf32, #tpu.memory_space<hbm>> -> memref<1000000x64xf32, #tpu.memory_space<hbm>>
    tpu.wait_indirect_dma semaphore(%arg17 : memref<!tpu.dma_semaphore, #tpu.memory_space<semaphore_mem>>) src(%dma_wait3A_230 : memref<1000000x64xf32, #tpu.memory_space<hbm>>) dst(%dma_wait3A_224 : memref<128x64xf32, #tpu.memory_space<vmem>>)
    %dma_start3A_231 = arith.constant 0 : i32
    %dma_start3A_232 = tpu.memref_slice %arg8[%add3A_8, %dma_start3A_231] : memref<16384x64xf32, #tpu.memory_space<hbm>> -> memref<512x64xf32, #tpu.memory_space<hbm>>
    %dma_start3A_233 = arith.constant 0 : i32
    %dma_start3A_234 = tpu.memref_slice %arg8[%add3A_8, %dma_start3A_233] : memref<16384x64xf32, #tpu.memory_space<hbm>> -> memref<512x64xf32, #tpu.memory_space<hbm>>
    tpu.enqueue_dma source(%arg14 : memref<512x64xf32, #tpu.memory_space<vmem>>) target(%dma_start3A_234 : memref<512x64xf32, #tpu.memory_space<hbm>>) target_semaphore(%arg20 : memref<!tpu.dma_semaphore, #tpu.memory_space<semaphore_mem>>)
    %dma_wait3A_235 = arith.constant 0 : i32
    %dma_wait3A_236 = tpu.memref_slice %arg7[%add3A_4, %dma_wait3A_235] : memref<16384x64xf32, #tpu.memory_space<hbm>> -> memref<512x64xf32, #tpu.memory_space<hbm>>
    %dma_wait3A_237 = arith.constant 0 : i32
    %dma_wait3A_238 = tpu.memref_slice %arg7[%add3A_4, %dma_wait3A_237] : memref<16384x64xf32, #tpu.memory_space<hbm>> -> memref<512x64xf32, #tpu.memory_space<hbm>>
    tpu.wait_dma2 semaphore(%arg19 : memref<!tpu.dma_semaphore, #tpu.memory_space<semaphore_mem>>) src(%arg13 : memref<512x64xf32, #tpu.memory_space<vmem>>) dst(%dma_wait3A_238 : memref<512x64xf32, #tpu.memory_space<hbm>>)
    %dma_start3A_239 = arith.constant 4 : i32
    %dma_start3A_240 = arith.constant 0 : i32
    %dma_start3A_241 = arith.constant 0 : i32
    %dma_start3A_242 = tpu.memref_slice %arg13[%dma_start3A_240, %dma_start3A_241] : memref<512x64xf32, #tpu.memory_space<vmem>> -> memref<128x64xf32, #tpu.memory_space<vmem>>
    %dma_start3A_243 = arith.constant 0 : i32
    %dma_start3A_244 = tpu.memref_slice %arg12[%dma_start3A_239, %dma_start3A_243] : memref<20x128xi32, #tpu.memory_space<vmem>> -> memref<1x128xi32, #tpu.memory_space<vmem>>
    %dma_start3A_245 = tpu.memref_squeeze %dma_start3A_244 : memref<1x128xi32, #tpu.memory_space<vmem>> -> memref<128xi32, #tpu.memory_space<vmem>>
    %dma_start3A_246 = arith.constant 0 : i32
    %dma_start3A_247 = arith.constant 0 : i32
    %dma_start3A_248 = tpu.memref_slice %arg3[%dma_start3A_246, %dma_start3A_247] : memref<1000000x64xf32, #tpu.memory_space<hbm>> -> memref<1000000x64xf32, #tpu.memory_space<hbm>>
    tpu.enqueue_indirect_dma source(%dma_start3A_248 : memref<1000000x64xf32, #tpu.memory_space<hbm>>) target(%dma_start3A_242 : memref<128x64xf32, #tpu.memory_space<vmem>>) offsets(%dma_start3A_245 : memref<128xi32, #tpu.memory_space<vmem>>) semaphore(%arg16 : memref<!tpu.dma_semaphore, #tpu.memory_space<semaphore_mem>>)
    %dma_start3A_249 = arith.constant 5 : i32
    %dma_start3A_250 = arith.constant 128 : i32
    %dma_start3A_251 = arith.constant 0 : i32
    %dma_start3A_252 = tpu.memref_slice %arg13[%dma_start3A_250, %dma_start3A_251] : memref<512x64xf32, #tpu.memory_space<vmem>> -> memref<128x64xf32, #tpu.memory_space<vmem>>
    %dma_start3A_253 = arith.constant 0 : i32
    %dma_start3A_254 = tpu.memref_slice %arg12[%dma_start3A_249, %dma_start3A_253] : memref<20x128xi32, #tpu.memory_space<vmem>> -> memref<1x128xi32, #tpu.memory_space<vmem>>
    %dma_start3A_255 = tpu.memref_squeeze %dma_start3A_254 : memref<1x128xi32, #tpu.memory_space<vmem>> -> memref<128xi32, #tpu.memory_space<vmem>>
    %dma_start3A_256 = arith.constant 0 : i32
    %dma_start3A_257 = arith.constant 0 : i32
    %dma_start3A_258 = tpu.memref_slice %arg3[%dma_start3A_256, %dma_start3A_257] : memref<1000000x64xf32, #tpu.memory_space<hbm>> -> memref<1000000x64xf32, #tpu.memory_space<hbm>>
    tpu.enqueue_indirect_dma source(%dma_start3A_258 : memref<1000000x64xf32, #tpu.memory_space<hbm>>) target(%dma_start3A_252 : memref<128x64xf32, #tpu.memory_space<vmem>>) offsets(%dma_start3A_255 : memref<128xi32, #tpu.memory_space<vmem>>) semaphore(%arg16 : memref<!tpu.dma_semaphore, #tpu.memory_space<semaphore_mem>>)
    %dma_start3A_259 = arith.constant 6 : i32
    %dma_start3A_260 = arith.constant 256 : i32
    %dma_start3A_261 = arith.constant 0 : i32
    %dma_start3A_262 = tpu.memref_slice %arg13[%dma_start3A_260, %dma_start3A_261] : memref<512x64xf32, #tpu.memory_space<vmem>> -> memref<128x64xf32, #tpu.memory_space<vmem>>
    %dma_start3A_263 = arith.constant 0 : i32
    %dma_start3A_264 = tpu.memref_slice %arg12[%dma_start3A_259, %dma_start3A_263] : memref<20x128xi32, #tpu.memory_space<vmem>> -> memref<1x128xi32, #tpu.memory_space<vmem>>
    %dma_start3A_265 = tpu.memref_squeeze %dma_start3A_264 : memref<1x128xi32, #tpu.memory_space<vmem>> -> memref<128xi32, #tpu.memory_space<vmem>>
    %dma_start3A_266 = arith.constant 0 : i32
    %dma_start3A_267 = arith.constant 0 : i32
    %dma_start3A_268 = tpu.memref_slice %arg3[%dma_start3A_266, %dma_start3A_267] : memref<1000000x64xf32, #tpu.memory_space<hbm>> -> memref<1000000x64xf32, #tpu.memory_space<hbm>>
    tpu.enqueue_indirect_dma source(%dma_start3A_268 : memref<1000000x64xf32, #tpu.memory_space<hbm>>) target(%dma_start3A_262 : memref<128x64xf32, #tpu.memory_space<vmem>>) offsets(%dma_start3A_265 : memref<128xi32, #tpu.memory_space<vmem>>) semaphore(%arg16 : memref<!tpu.dma_semaphore, #tpu.memory_space<semaphore_mem>>)
    %dma_start3A_269 = arith.constant 7 : i32
    %dma_start3A_270 = arith.constant 384 : i32
    %dma_start3A_271 = arith.constant 0 : i32
    %dma_start3A_272 = tpu.memref_slice %arg13[%dma_start3A_270, %dma_start3A_271] : memref<512x64xf32, #tpu.memory_space<vmem>> -> memref<128x64xf32, #tpu.memory_space<vmem>>
    %dma_start3A_273 = arith.constant 0 : i32
    %dma_start3A_274 = tpu.memref_slice %arg12[%dma_start3A_269, %dma_start3A_273] : memref<20x128xi32, #tpu.memory_space<vmem>> -> memref<1x128xi32, #tpu.memory_space<vmem>>
    %dma_start3A_275 = tpu.memref_squeeze %dma_start3A_274 : memref<1x128xi32, #tpu.memory_space<vmem>> -> memref<128xi32, #tpu.memory_space<vmem>>
    %dma_start3A_276 = arith.constant 0 : i32
    %dma_start3A_277 = arith.constant 0 : i32
    %dma_start3A_278 = tpu.memref_slice %arg3[%dma_start3A_276, %dma_start3A_277] : memref<1000000x64xf32, #tpu.memory_space<hbm>> -> memref<1000000x64xf32, #tpu.memory_space<hbm>>
    tpu.enqueue_indirect_dma source(%dma_start3A_278 : memref<1000000x64xf32, #tpu.memory_space<hbm>>) target(%dma_start3A_272 : memref<128x64xf32, #tpu.memory_space<vmem>>) offsets(%dma_start3A_275 : memref<128xi32, #tpu.memory_space<vmem>>) semaphore(%arg16 : memref<!tpu.dma_semaphore, #tpu.memory_space<semaphore_mem>>)
    %dma_wait3A_279 = arith.constant 0 : i32
    %dma_wait3A_280 = arith.constant 0 : i32
    %dma_wait3A_281 = arith.constant 0 : i32
    %dma_wait3A_282 = tpu.memref_slice %arg15[%dma_wait3A_280, %dma_wait3A_281] : memref<512x64xf32, #tpu.memory_space<vmem>> -> memref<128x64xf32, #tpu.memory_space<vmem>>
    %dma_wait3A_283 = arith.constant 0 : i32
    %dma_wait3A_284 = tpu.memref_slice %arg12[%dma_wait3A_279, %dma_wait3A_283] : memref<20x128xi32, #tpu.memory_space<vmem>> -> memref<1x128xi32, #tpu.memory_space<vmem>>
    %dma_wait3A_285 = tpu.memref_squeeze %dma_wait3A_284 : memref<1x128xi32, #tpu.memory_space<vmem>> -> memref<128xi32, #tpu.memory_space<vmem>>
    %dma_wait3A_286 = arith.constant 0 : i32
    %dma_wait3A_287 = arith.constant 0 : i32
    %dma_wait3A_288 = tpu.memref_slice %arg3[%dma_wait3A_286, %dma_wait3A_287] : memref<1000000x64xf32, #tpu.memory_space<hbm>> -> memref<1000000x64xf32, #tpu.memory_space<hbm>>
    tpu.wait_indirect_dma semaphore(%arg18 : memref<!tpu.dma_semaphore, #tpu.memory_space<semaphore_mem>>) src(%dma_wait3A_288 : memref<1000000x64xf32, #tpu.memory_space<hbm>>) dst(%dma_wait3A_282 : memref<128x64xf32, #tpu.memory_space<vmem>>)
    %dma_wait3A_289 = arith.constant 1 : i32
    %dma_wait3A_290 = arith.constant 128 : i32
    %dma_wait3A_291 = arith.constant 0 : i32
    %dma_wait3A_292 = tpu.memref_slice %arg15[%dma_wait3A_290, %dma_wait3A_291] : memref<512x64xf32, #tpu.memory_space<vmem>> -> memref<128x64xf32, #tpu.memory_space<vmem>>
    %dma_wait3A_293 = arith.constant 0 : i32
    %dma_wait3A_294 = tpu.memref_slice %arg12[%dma_wait3A_289, %dma_wait3A_293] : memref<20x128xi32, #tpu.memory_space<vmem>> -> memref<1x128xi32, #tpu.memory_space<vmem>>
    %dma_wait3A_295 = tpu.memref_squeeze %dma_wait3A_294 : memref<1x128xi32, #tpu.memory_space<vmem>> -> memref<128xi32, #tpu.memory_space<vmem>>
    %dma_wait3A_296 = arith.constant 0 : i32
    %dma_wait3A_297 = arith.constant 0 : i32
    %dma_wait3A_298 = tpu.memref_slice %arg3[%dma_wait3A_296, %dma_wait3A_297] : memref<1000000x64xf32, #tpu.memory_space<hbm>> -> memref<1000000x64xf32, #tpu.memory_space<hbm>>
    tpu.wait_indirect_dma semaphore(%arg18 : memref<!tpu.dma_semaphore, #tpu.memory_space<semaphore_mem>>) src(%dma_wait3A_298 : memref<1000000x64xf32, #tpu.memory_space<hbm>>) dst(%dma_wait3A_292 : memref<128x64xf32, #tpu.memory_space<vmem>>)
    %dma_wait3A_299 = arith.constant 2 : i32
    %dma_wait3A_300 = arith.constant 256 : i32
    %dma_wait3A_301 = arith.constant 0 : i32
    %dma_wait3A_302 = tpu.memref_slice %arg15[%dma_wait3A_300, %dma_wait3A_301] : memref<512x64xf32, #tpu.memory_space<vmem>> -> memref<128x64xf32, #tpu.memory_space<vmem>>
    %dma_wait3A_303 = arith.constant 0 : i32
    %dma_wait3A_304 = tpu.memref_slice %arg12[%dma_wait3A_299, %dma_wait3A_303] : memref<20x128xi32, #tpu.memory_space<vmem>> -> memref<1x128xi32, #tpu.memory_space<vmem>>
    %dma_wait3A_305 = tpu.memref_squeeze %dma_wait3A_304 : memref<1x128xi32, #tpu.memory_space<vmem>> -> memref<128xi32, #tpu.memory_space<vmem>>
    %dma_wait3A_306 = arith.constant 0 : i32
    %dma_wait3A_307 = arith.constant 0 : i32
    %dma_wait3A_308 = tpu.memref_slice %arg3[%dma_wait3A_306, %dma_wait3A_307] : memref<1000000x64xf32, #tpu.memory_space<hbm>> -> memref<1000000x64xf32, #tpu.memory_space<hbm>>
    tpu.wait_indirect_dma semaphore(%arg18 : memref<!tpu.dma_semaphore, #tpu.memory_space<semaphore_mem>>) src(%dma_wait3A_308 : memref<1000000x64xf32, #tpu.memory_space<hbm>>) dst(%dma_wait3A_302 : memref<128x64xf32, #tpu.memory_space<vmem>>)
    %dma_wait3A_309 = arith.constant 3 : i32
    %dma_wait3A_310 = arith.constant 384 : i32
    %dma_wait3A_311 = arith.constant 0 : i32
    %dma_wait3A_312 = tpu.memref_slice %arg15[%dma_wait3A_310, %dma_wait3A_311] : memref<512x64xf32, #tpu.memory_space<vmem>> -> memref<128x64xf32, #tpu.memory_space<vmem>>
    %dma_wait3A_313 = arith.constant 0 : i32
    %dma_wait3A_314 = tpu.memref_slice %arg12[%dma_wait3A_309, %dma_wait3A_313] : memref<20x128xi32, #tpu.memory_space<vmem>> -> memref<1x128xi32, #tpu.memory_space<vmem>>
    %dma_wait3A_315 = tpu.memref_squeeze %dma_wait3A_314 : memref<1x128xi32, #tpu.memory_space<vmem>> -> memref<128xi32, #tpu.memory_space<vmem>>
    %dma_wait3A_316 = arith.constant 0 : i32
    %dma_wait3A_317 = arith.constant 0 : i32
    %dma_wait3A_318 = tpu.memref_slice %arg3[%dma_wait3A_316, %dma_wait3A_317] : memref<1000000x64xf32, #tpu.memory_space<hbm>> -> memref<1000000x64xf32, #tpu.memory_space<hbm>>
    tpu.wait_indirect_dma semaphore(%arg18 : memref<!tpu.dma_semaphore, #tpu.memory_space<semaphore_mem>>) src(%dma_wait3A_318 : memref<1000000x64xf32, #tpu.memory_space<hbm>>) dst(%dma_wait3A_312 : memref<128x64xf32, #tpu.memory_space<vmem>>)
    %dma_start3A_319 = arith.constant 0 : i32
    %dma_start3A_320 = tpu.memref_slice %arg9[%add3A_12, %dma_start3A_319] : memref<81920x64xf32, #tpu.memory_space<hbm>> -> memref<512x64xf32, #tpu.memory_space<hbm>>
    %dma_start3A_321 = arith.constant 0 : i32
    %dma_start3A_322 = tpu.memref_slice %arg9[%add3A_12, %dma_start3A_321] : memref<81920x64xf32, #tpu.memory_space<hbm>> -> memref<512x64xf32, #tpu.memory_space<hbm>>
    tpu.enqueue_dma source(%arg15 : memref<512x64xf32, #tpu.memory_space<vmem>>) target(%dma_start3A_322 : memref<512x64xf32, #tpu.memory_space<hbm>>) target_semaphore(%arg21 : memref<!tpu.dma_semaphore, #tpu.memory_space<semaphore_mem>>)
    %dma_wait3A_323 = arith.constant 0 : i32
    %dma_wait3A_324 = tpu.memref_slice %arg8[%add3A_8, %dma_wait3A_323] : memref<16384x64xf32, #tpu.memory_space<hbm>> -> memref<512x64xf32, #tpu.memory_space<hbm>>
    %dma_wait3A_325 = arith.constant 0 : i32
    %dma_wait3A_326 = tpu.memref_slice %arg8[%add3A_8, %dma_wait3A_325] : memref<16384x64xf32, #tpu.memory_space<hbm>> -> memref<512x64xf32, #tpu.memory_space<hbm>>
    tpu.wait_dma2 semaphore(%arg20 : memref<!tpu.dma_semaphore, #tpu.memory_space<semaphore_mem>>) src(%arg14 : memref<512x64xf32, #tpu.memory_space<vmem>>) dst(%dma_wait3A_326 : memref<512x64xf32, #tpu.memory_space<hbm>>)
    %dma_start3A_327 = arith.constant 8 : i32
    %dma_start3A_328 = arith.constant 0 : i32
    %dma_start3A_329 = arith.constant 0 : i32
    %dma_start3A_330 = tpu.memref_slice %arg14[%dma_start3A_328, %dma_start3A_329] : memref<512x64xf32, #tpu.memory_space<vmem>> -> memref<128x64xf32, #tpu.memory_space<vmem>>
    %dma_start3A_331 = arith.constant 0 : i32
    %dma_start3A_332 = tpu.memref_slice %arg12[%dma_start3A_327, %dma_start3A_331] : memref<20x128xi32, #tpu.memory_space<vmem>> -> memref<1x128xi32, #tpu.memory_space<vmem>>
    %dma_start3A_333 = tpu.memref_squeeze %dma_start3A_332 : memref<1x128xi32, #tpu.memory_space<vmem>> -> memref<128xi32, #tpu.memory_space<vmem>>
    %dma_start3A_334 = arith.constant 0 : i32
    %dma_start3A_335 = arith.constant 0 : i32
    %dma_start3A_336 = tpu.memref_slice %arg3[%dma_start3A_334, %dma_start3A_335] : memref<1000000x64xf32, #tpu.memory_space<hbm>> -> memref<1000000x64xf32, #tpu.memory_space<hbm>>
    tpu.enqueue_indirect_dma source(%dma_start3A_336 : memref<1000000x64xf32, #tpu.memory_space<hbm>>) target(%dma_start3A_330 : memref<128x64xf32, #tpu.memory_space<vmem>>) offsets(%dma_start3A_333 : memref<128xi32, #tpu.memory_space<vmem>>) semaphore(%arg17 : memref<!tpu.dma_semaphore, #tpu.memory_space<semaphore_mem>>)
    %dma_start3A_337 = arith.constant 9 : i32
    %dma_start3A_338 = arith.constant 128 : i32
    %dma_start3A_339 = arith.constant 0 : i32
    %dma_start3A_340 = tpu.memref_slice %arg14[%dma_start3A_338, %dma_start3A_339] : memref<512x64xf32, #tpu.memory_space<vmem>> -> memref<128x64xf32, #tpu.memory_space<vmem>>
    %dma_start3A_341 = arith.constant 0 : i32
    %dma_start3A_342 = tpu.memref_slice %arg12[%dma_start3A_337, %dma_start3A_341] : memref<20x128xi32, #tpu.memory_space<vmem>> -> memref<1x128xi32, #tpu.memory_space<vmem>>
    %dma_start3A_343 = tpu.memref_squeeze %dma_start3A_342 : memref<1x128xi32, #tpu.memory_space<vmem>> -> memref<128xi32, #tpu.memory_space<vmem>>
    %dma_start3A_344 = arith.constant 0 : i32
    %dma_start3A_345 = arith.constant 0 : i32
    %dma_start3A_346 = tpu.memref_slice %arg3[%dma_start3A_344, %dma_start3A_345] : memref<1000000x64xf32, #tpu.memory_space<hbm>> -> memref<1000000x64xf32, #tpu.memory_space<hbm>>
    tpu.enqueue_indirect_dma source(%dma_start3A_346 : memref<1000000x64xf32, #tpu.memory_space<hbm>>) target(%dma_start3A_340 : memref<128x64xf32, #tpu.memory_space<vmem>>) offsets(%dma_start3A_343 : memref<128xi32, #tpu.memory_space<vmem>>) semaphore(%arg17 : memref<!tpu.dma_semaphore, #tpu.memory_space<semaphore_mem>>)
    %dma_start3A_347 = arith.constant 10 : i32
    %dma_start3A_348 = arith.constant 256 : i32
    %dma_start3A_349 = arith.constant 0 : i32
    %dma_start3A_350 = tpu.memref_slice %arg14[%dma_start3A_348, %dma_start3A_349] : memref<512x64xf32, #tpu.memory_space<vmem>> -> memref<128x64xf32, #tpu.memory_space<vmem>>
    %dma_start3A_351 = arith.constant 0 : i32
    %dma_start3A_352 = tpu.memref_slice %arg12[%dma_start3A_347, %dma_start3A_351] : memref<20x128xi32, #tpu.memory_space<vmem>> -> memref<1x128xi32, #tpu.memory_space<vmem>>
    %dma_start3A_353 = tpu.memref_squeeze %dma_start3A_352 : memref<1x128xi32, #tpu.memory_space<vmem>> -> memref<128xi32, #tpu.memory_space<vmem>>
    %dma_start3A_354 = arith.constant 0 : i32
    %dma_start3A_355 = arith.constant 0 : i32
    %dma_start3A_356 = tpu.memref_slice %arg3[%dma_start3A_354, %dma_start3A_355] : memref<1000000x64xf32, #tpu.memory_space<hbm>> -> memref<1000000x64xf32, #tpu.memory_space<hbm>>
    tpu.enqueue_indirect_dma source(%dma_start3A_356 : memref<1000000x64xf32, #tpu.memory_space<hbm>>) target(%dma_start3A_350 : memref<128x64xf32, #tpu.memory_space<vmem>>) offsets(%dma_start3A_353 : memref<128xi32, #tpu.memory_space<vmem>>) semaphore(%arg17 : memref<!tpu.dma_semaphore, #tpu.memory_space<semaphore_mem>>)
    %dma_start3A_357 = arith.constant 11 : i32
    %dma_start3A_358 = arith.constant 384 : i32
    %dma_start3A_359 = arith.constant 0 : i32
    %dma_start3A_360 = tpu.memref_slice %arg14[%dma_start3A_358, %dma_start3A_359] : memref<512x64xf32, #tpu.memory_space<vmem>> -> memref<128x64xf32, #tpu.memory_space<vmem>>
    %dma_start3A_361 = arith.constant 0 : i32
    %dma_start3A_362 = tpu.memref_slice %arg12[%dma_start3A_357, %dma_start3A_361] : memref<20x128xi32, #tpu.memory_space<vmem>> -> memref<1x128xi32, #tpu.memory_space<vmem>>
    %dma_start3A_363 = tpu.memref_squeeze %dma_start3A_362 : memref<1x128xi32, #tpu.memory_space<vmem>> -> memref<128xi32, #tpu.memory_space<vmem>>
    %dma_start3A_364 = arith.constant 0 : i32
    %dma_start3A_365 = arith.constant 0 : i32
    %dma_start3A_366 = tpu.memref_slice %arg3[%dma_start3A_364, %dma_start3A_365] : memref<1000000x64xf32, #tpu.memory_space<hbm>> -> memref<1000000x64xf32, #tpu.memory_space<hbm>>
    tpu.enqueue_indirect_dma source(%dma_start3A_366 : memref<1000000x64xf32, #tpu.memory_space<hbm>>) target(%dma_start3A_360 : memref<128x64xf32, #tpu.memory_space<vmem>>) offsets(%dma_start3A_363 : memref<128xi32, #tpu.memory_space<vmem>>) semaphore(%arg17 : memref<!tpu.dma_semaphore, #tpu.memory_space<semaphore_mem>>)
    %dma_wait3A_367 = arith.constant 4 : i32
    %dma_wait3A_368 = arith.constant 0 : i32
    %dma_wait3A_369 = arith.constant 0 : i32
    %dma_wait3A_370 = tpu.memref_slice %arg13[%dma_wait3A_368, %dma_wait3A_369] : memref<512x64xf32, #tpu.memory_space<vmem>> -> memref<128x64xf32, #tpu.memory_space<vmem>>
    %dma_wait3A_371 = arith.constant 0 : i32
    %dma_wait3A_372 = tpu.memref_slice %arg12[%dma_wait3A_367, %dma_wait3A_371] : memref<20x128xi32, #tpu.memory_space<vmem>> -> memref<1x128xi32, #tpu.memory_space<vmem>>
    %dma_wait3A_373 = tpu.memref_squeeze %dma_wait3A_372 : memref<1x128xi32, #tpu.memory_space<vmem>> -> memref<128xi32, #tpu.memory_space<vmem>>
    %dma_wait3A_374 = arith.constant 0 : i32
    %dma_wait3A_375 = arith.constant 0 : i32
    %dma_wait3A_376 = tpu.memref_slice %arg3[%dma_wait3A_374, %dma_wait3A_375] : memref<1000000x64xf32, #tpu.memory_space<hbm>> -> memref<1000000x64xf32, #tpu.memory_space<hbm>>
    tpu.wait_indirect_dma semaphore(%arg16 : memref<!tpu.dma_semaphore, #tpu.memory_space<semaphore_mem>>) src(%dma_wait3A_376 : memref<1000000x64xf32, #tpu.memory_space<hbm>>) dst(%dma_wait3A_370 : memref<128x64xf32, #tpu.memory_space<vmem>>)
    %dma_wait3A_377 = arith.constant 5 : i32
    %dma_wait3A_378 = arith.constant 128 : i32
    %dma_wait3A_379 = arith.constant 0 : i32
    %dma_wait3A_380 = tpu.memref_slice %arg13[%dma_wait3A_378, %dma_wait3A_379] : memref<512x64xf32, #tpu.memory_space<vmem>> -> memref<128x64xf32, #tpu.memory_space<vmem>>
    %dma_wait3A_381 = arith.constant 0 : i32
    %dma_wait3A_382 = tpu.memref_slice %arg12[%dma_wait3A_377, %dma_wait3A_381] : memref<20x128xi32, #tpu.memory_space<vmem>> -> memref<1x128xi32, #tpu.memory_space<vmem>>
    %dma_wait3A_383 = tpu.memref_squeeze %dma_wait3A_382 : memref<1x128xi32, #tpu.memory_space<vmem>> -> memref<128xi32, #tpu.memory_space<vmem>>
    %dma_wait3A_384 = arith.constant 0 : i32
    %dma_wait3A_385 = arith.constant 0 : i32
    %dma_wait3A_386 = tpu.memref_slice %arg3[%dma_wait3A_384, %dma_wait3A_385] : memref<1000000x64xf32, #tpu.memory_space<hbm>> -> memref<1000000x64xf32, #tpu.memory_space<hbm>>
    tpu.wait_indirect_dma semaphore(%arg16 : memref<!tpu.dma_semaphore, #tpu.memory_space<semaphore_mem>>) src(%dma_wait3A_386 : memref<1000000x64xf32, #tpu.memory_space<hbm>>) dst(%dma_wait3A_380 : memref<128x64xf32, #tpu.memory_space<vmem>>)
    %dma_wait3A_387 = arith.constant 6 : i32
    %dma_wait3A_388 = arith.constant 256 : i32
    %dma_wait3A_389 = arith.constant 0 : i32
    %dma_wait3A_390 = tpu.memref_slice %arg13[%dma_wait3A_388, %dma_wait3A_389] : memref<512x64xf32, #tpu.memory_space<vmem>> -> memref<128x64xf32, #tpu.memory_space<vmem>>
    %dma_wait3A_391 = arith.constant 0 : i32
    %dma_wait3A_392 = tpu.memref_slice %arg12[%dma_wait3A_387, %dma_wait3A_391] : memref<20x128xi32, #tpu.memory_space<vmem>> -> memref<1x128xi32, #tpu.memory_space<vmem>>
    %dma_wait3A_393 = tpu.memref_squeeze %dma_wait3A_392 : memref<1x128xi32, #tpu.memory_space<vmem>> -> memref<128xi32, #tpu.memory_space<vmem>>
    %dma_wait3A_394 = arith.constant 0 : i32
    %dma_wait3A_395 = arith.constant 0 : i32
    %dma_wait3A_396 = tpu.memref_slice %arg3[%dma_wait3A_394, %dma_wait3A_395] : memref<1000000x64xf32, #tpu.memory_space<hbm>> -> memref<1000000x64xf32, #tpu.memory_space<hbm>>
    tpu.wait_indirect_dma semaphore(%arg16 : memref<!tpu.dma_semaphore, #tpu.memory_space<semaphore_mem>>) src(%dma_wait3A_396 : memref<1000000x64xf32, #tpu.memory_space<hbm>>) dst(%dma_wait3A_390 : memref<128x64xf32, #tpu.memory_space<vmem>>)
    %dma_wait3A_397 = arith.constant 7 : i32
    %dma_wait3A_398 = arith.constant 384 : i32
    %dma_wait3A_399 = arith.constant 0 : i32
    %dma_wait3A_400 = tpu.memref_slice %arg13[%dma_wait3A_398, %dma_wait3A_399] : memref<512x64xf32, #tpu.memory_space<vmem>> -> memref<128x64xf32, #tpu.memory_space<vmem>>
    %dma_wait3A_401 = arith.constant 0 : i32
    %dma_wait3A_402 = tpu.memref_slice %arg12[%dma_wait3A_397, %dma_wait3A_401] : memref<20x128xi32, #tpu.memory_space<vmem>> -> memref<1x128xi32, #tpu.memory_space<vmem>>
    %dma_wait3A_403 = tpu.memref_squeeze %dma_wait3A_402 : memref<1x128xi32, #tpu.memory_space<vmem>> -> memref<128xi32, #tpu.memory_space<vmem>>
    %dma_wait3A_404 = arith.constant 0 : i32
    %dma_wait3A_405 = arith.constant 0 : i32
    %dma_wait3A_406 = tpu.memref_slice %arg3[%dma_wait3A_404, %dma_wait3A_405] : memref<1000000x64xf32, #tpu.memory_space<hbm>> -> memref<1000000x64xf32, #tpu.memory_space<hbm>>
    tpu.wait_indirect_dma semaphore(%arg16 : memref<!tpu.dma_semaphore, #tpu.memory_space<semaphore_mem>>) src(%dma_wait3A_406 : memref<1000000x64xf32, #tpu.memory_space<hbm>>) dst(%dma_wait3A_400 : memref<128x64xf32, #tpu.memory_space<vmem>>)
    %dma_start3A_407 = arith.constant 0 : i32
    %dma_start3A_408 = tpu.memref_slice %arg9[%add3A_16, %dma_start3A_407] : memref<81920x64xf32, #tpu.memory_space<hbm>> -> memref<512x64xf32, #tpu.memory_space<hbm>>
    %dma_start3A_409 = arith.constant 0 : i32
    %dma_start3A_410 = tpu.memref_slice %arg9[%add3A_16, %dma_start3A_409] : memref<81920x64xf32, #tpu.memory_space<hbm>> -> memref<512x64xf32, #tpu.memory_space<hbm>>
    tpu.enqueue_dma source(%arg13 : memref<512x64xf32, #tpu.memory_space<vmem>>) target(%dma_start3A_410 : memref<512x64xf32, #tpu.memory_space<hbm>>) target_semaphore(%arg19 : memref<!tpu.dma_semaphore, #tpu.memory_space<semaphore_mem>>)
    %dma_wait3A_411 = arith.constant 0 : i32
    %dma_wait3A_412 = tpu.memref_slice %arg9[%add3A_12, %dma_wait3A_411] : memref<81920x64xf32, #tpu.memory_space<hbm>> -> memref<512x64xf32, #tpu.memory_space<hbm>>
    %dma_wait3A_413 = arith.constant 0 : i32
    %dma_wait3A_414 = tpu.memref_slice %arg9[%add3A_12, %dma_wait3A_413] : memref<81920x64xf32, #tpu.memory_space<hbm>> -> memref<512x64xf32, #tpu.memory_space<hbm>>
    tpu.wait_dma2 semaphore(%arg21 : memref<!tpu.dma_semaphore, #tpu.memory_space<semaphore_mem>>) src(%arg15 : memref<512x64xf32, #tpu.memory_space<vmem>>) dst(%dma_wait3A_414 : memref<512x64xf32, #tpu.memory_space<hbm>>)
    %dma_start3A_415 = arith.constant 12 : i32
    %dma_start3A_416 = arith.constant 0 : i32
    %dma_start3A_417 = arith.constant 0 : i32
    %dma_start3A_418 = tpu.memref_slice %arg15[%dma_start3A_416, %dma_start3A_417] : memref<512x64xf32, #tpu.memory_space<vmem>> -> memref<128x64xf32, #tpu.memory_space<vmem>>
    %dma_start3A_419 = arith.constant 0 : i32
    %dma_start3A_420 = tpu.memref_slice %arg12[%dma_start3A_415, %dma_start3A_419] : memref<20x128xi32, #tpu.memory_space<vmem>> -> memref<1x128xi32, #tpu.memory_space<vmem>>
    %dma_start3A_421 = tpu.memref_squeeze %dma_start3A_420 : memref<1x128xi32, #tpu.memory_space<vmem>> -> memref<128xi32, #tpu.memory_space<vmem>>
    %dma_start3A_422 = arith.constant 0 : i32
    %dma_start3A_423 = arith.constant 0 : i32
    %dma_start3A_424 = tpu.memref_slice %arg3[%dma_start3A_422, %dma_start3A_423] : memref<1000000x64xf32, #tpu.memory_space<hbm>> -> memref<1000000x64xf32, #tpu.memory_space<hbm>>
    tpu.enqueue_indirect_dma source(%dma_start3A_424 : memref<1000000x64xf32, #tpu.memory_space<hbm>>) target(%dma_start3A_418 : memref<128x64xf32, #tpu.memory_space<vmem>>) offsets(%dma_start3A_421 : memref<128xi32, #tpu.memory_space<vmem>>) semaphore(%arg18 : memref<!tpu.dma_semaphore, #tpu.memory_space<semaphore_mem>>)
    %dma_start3A_425 = arith.constant 13 : i32
    %dma_start3A_426 = arith.constant 128 : i32
    %dma_start3A_427 = arith.constant 0 : i32
    %dma_start3A_428 = tpu.memref_slice %arg15[%dma_start3A_426, %dma_start3A_427] : memref<512x64xf32, #tpu.memory_space<vmem>> -> memref<128x64xf32, #tpu.memory_space<vmem>>
    %dma_start3A_429 = arith.constant 0 : i32
    %dma_start3A_430 = tpu.memref_slice %arg12[%dma_start3A_425, %dma_start3A_429] : memref<20x128xi32, #tpu.memory_space<vmem>> -> memref<1x128xi32, #tpu.memory_space<vmem>>
    %dma_start3A_431 = tpu.memref_squeeze %dma_start3A_430 : memref<1x128xi32, #tpu.memory_space<vmem>> -> memref<128xi32, #tpu.memory_space<vmem>>
    %dma_start3A_432 = arith.constant 0 : i32
    %dma_start3A_433 = arith.constant 0 : i32
    %dma_start3A_434 = tpu.memref_slice %arg3[%dma_start3A_432, %dma_start3A_433] : memref<1000000x64xf32, #tpu.memory_space<hbm>> -> memref<1000000x64xf32, #tpu.memory_space<hbm>>
    tpu.enqueue_indirect_dma source(%dma_start3A_434 : memref<1000000x64xf32, #tpu.memory_space<hbm>>) target(%dma_start3A_428 : memref<128x64xf32, #tpu.memory_space<vmem>>) offsets(%dma_start3A_431 : memref<128xi32, #tpu.memory_space<vmem>>) semaphore(%arg18 : memref<!tpu.dma_semaphore, #tpu.memory_space<semaphore_mem>>)
    %dma_start3A_435 = arith.constant 14 : i32
    %dma_start3A_436 = arith.constant 256 : i32
    %dma_start3A_437 = arith.constant 0 : i32
    %dma_start3A_438 = tpu.memref_slice %arg15[%dma_start3A_436, %dma_start3A_437] : memref<512x64xf32, #tpu.memory_space<vmem>> -> memref<128x64xf32, #tpu.memory_space<vmem>>
    %dma_start3A_439 = arith.constant 0 : i32
    %dma_start3A_440 = tpu.memref_slice %arg12[%dma_start3A_435, %dma_start3A_439] : memref<20x128xi32, #tpu.memory_space<vmem>> -> memref<1x128xi32, #tpu.memory_space<vmem>>
    %dma_start3A_441 = tpu.memref_squeeze %dma_start3A_440 : memref<1x128xi32, #tpu.memory_space<vmem>> -> memref<128xi32, #tpu.memory_space<vmem>>
    %dma_start3A_442 = arith.constant 0 : i32
    %dma_start3A_443 = arith.constant 0 : i32
    %dma_start3A_444 = tpu.memref_slice %arg3[%dma_start3A_442, %dma_start3A_443] : memref<1000000x64xf32, #tpu.memory_space<hbm>> -> memref<1000000x64xf32, #tpu.memory_space<hbm>>
    tpu.enqueue_indirect_dma source(%dma_start3A_444 : memref<1000000x64xf32, #tpu.memory_space<hbm>>) target(%dma_start3A_438 : memref<128x64xf32, #tpu.memory_space<vmem>>) offsets(%dma_start3A_441 : memref<128xi32, #tpu.memory_space<vmem>>) semaphore(%arg18 : memref<!tpu.dma_semaphore, #tpu.memory_space<semaphore_mem>>)
    %dma_start3A_445 = arith.constant 15 : i32
    %dma_start3A_446 = arith.constant 384 : i32
    %dma_start3A_447 = arith.constant 0 : i32
    %dma_start3A_448 = tpu.memref_slice %arg15[%dma_start3A_446, %dma_start3A_447] : memref<512x64xf32, #tpu.memory_space<vmem>> -> memref<128x64xf32, #tpu.memory_space<vmem>>
    %dma_start3A_449 = arith.constant 0 : i32
    %dma_start3A_450 = tpu.memref_slice %arg12[%dma_start3A_445, %dma_start3A_449] : memref<20x128xi32, #tpu.memory_space<vmem>> -> memref<1x128xi32, #tpu.memory_space<vmem>>
    %dma_start3A_451 = tpu.memref_squeeze %dma_start3A_450 : memref<1x128xi32, #tpu.memory_space<vmem>> -> memref<128xi32, #tpu.memory_space<vmem>>
    %dma_start3A_452 = arith.constant 0 : i32
    %dma_start3A_453 = arith.constant 0 : i32
    %dma_start3A_454 = tpu.memref_slice %arg3[%dma_start3A_452, %dma_start3A_453] : memref<1000000x64xf32, #tpu.memory_space<hbm>> -> memref<1000000x64xf32, #tpu.memory_space<hbm>>
    tpu.enqueue_indirect_dma source(%dma_start3A_454 : memref<1000000x64xf32, #tpu.memory_space<hbm>>) target(%dma_start3A_448 : memref<128x64xf32, #tpu.memory_space<vmem>>) offsets(%dma_start3A_451 : memref<128xi32, #tpu.memory_space<vmem>>) semaphore(%arg18 : memref<!tpu.dma_semaphore, #tpu.memory_space<semaphore_mem>>)
    %dma_wait3A_455 = arith.constant 8 : i32
    %dma_wait3A_456 = arith.constant 0 : i32
    %dma_wait3A_457 = arith.constant 0 : i32
    %dma_wait3A_458 = tpu.memref_slice %arg14[%dma_wait3A_456, %dma_wait3A_457] : memref<512x64xf32, #tpu.memory_space<vmem>> -> memref<128x64xf32, #tpu.memory_space<vmem>>
    %dma_wait3A_459 = arith.constant 0 : i32
    %dma_wait3A_460 = tpu.memref_slice %arg12[%dma_wait3A_455, %dma_wait3A_459] : memref<20x128xi32, #tpu.memory_space<vmem>> -> memref<1x128xi32, #tpu.memory_space<vmem>>
    %dma_wait3A_461 = tpu.memref_squeeze %dma_wait3A_460 : memref<1x128xi32, #tpu.memory_space<vmem>> -> memref<128xi32, #tpu.memory_space<vmem>>
    %dma_wait3A_462 = arith.constant 0 : i32
    %dma_wait3A_463 = arith.constant 0 : i32
    %dma_wait3A_464 = tpu.memref_slice %arg3[%dma_wait3A_462, %dma_wait3A_463] : memref<1000000x64xf32, #tpu.memory_space<hbm>> -> memref<1000000x64xf32, #tpu.memory_space<hbm>>
    tpu.wait_indirect_dma semaphore(%arg17 : memref<!tpu.dma_semaphore, #tpu.memory_space<semaphore_mem>>) src(%dma_wait3A_464 : memref<1000000x64xf32, #tpu.memory_space<hbm>>) dst(%dma_wait3A_458 : memref<128x64xf32, #tpu.memory_space<vmem>>)
    %dma_wait3A_465 = arith.constant 9 : i32
    %dma_wait3A_466 = arith.constant 128 : i32
    %dma_wait3A_467 = arith.constant 0 : i32
    %dma_wait3A_468 = tpu.memref_slice %arg14[%dma_wait3A_466, %dma_wait3A_467] : memref<512x64xf32, #tpu.memory_space<vmem>> -> memref<128x64xf32, #tpu.memory_space<vmem>>
    %dma_wait3A_469 = arith.constant 0 : i32
    %dma_wait3A_470 = tpu.memref_slice %arg12[%dma_wait3A_465, %dma_wait3A_469] : memref<20x128xi32, #tpu.memory_space<vmem>> -> memref<1x128xi32, #tpu.memory_space<vmem>>
    %dma_wait3A_471 = tpu.memref_squeeze %dma_wait3A_470 : memref<1x128xi32, #tpu.memory_space<vmem>> -> memref<128xi32, #tpu.memory_space<vmem>>
    %dma_wait3A_472 = arith.constant 0 : i32
    %dma_wait3A_473 = arith.constant 0 : i32
    %dma_wait3A_474 = tpu.memref_slice %arg3[%dma_wait3A_472, %dma_wait3A_473] : memref<1000000x64xf32, #tpu.memory_space<hbm>> -> memref<1000000x64xf32, #tpu.memory_space<hbm>>
    tpu.wait_indirect_dma semaphore(%arg17 : memref<!tpu.dma_semaphore, #tpu.memory_space<semaphore_mem>>) src(%dma_wait3A_474 : memref<1000000x64xf32, #tpu.memory_space<hbm>>) dst(%dma_wait3A_468 : memref<128x64xf32, #tpu.memory_space<vmem>>)
    %dma_wait3A_475 = arith.constant 10 : i32
    %dma_wait3A_476 = arith.constant 256 : i32
    %dma_wait3A_477 = arith.constant 0 : i32
    %dma_wait3A_478 = tpu.memref_slice %arg14[%dma_wait3A_476, %dma_wait3A_477] : memref<512x64xf32, #tpu.memory_space<vmem>> -> memref<128x64xf32, #tpu.memory_space<vmem>>
    %dma_wait3A_479 = arith.constant 0 : i32
    %dma_wait3A_480 = tpu.memref_slice %arg12[%dma_wait3A_475, %dma_wait3A_479] : memref<20x128xi32, #tpu.memory_space<vmem>> -> memref<1x128xi32, #tpu.memory_space<vmem>>
    %dma_wait3A_481 = tpu.memref_squeeze %dma_wait3A_480 : memref<1x128xi32, #tpu.memory_space<vmem>> -> memref<128xi32, #tpu.memory_space<vmem>>
    %dma_wait3A_482 = arith.constant 0 : i32
    %dma_wait3A_483 = arith.constant 0 : i32
    %dma_wait3A_484 = tpu.memref_slice %arg3[%dma_wait3A_482, %dma_wait3A_483] : memref<1000000x64xf32, #tpu.memory_space<hbm>> -> memref<1000000x64xf32, #tpu.memory_space<hbm>>
    tpu.wait_indirect_dma semaphore(%arg17 : memref<!tpu.dma_semaphore, #tpu.memory_space<semaphore_mem>>) src(%dma_wait3A_484 : memref<1000000x64xf32, #tpu.memory_space<hbm>>) dst(%dma_wait3A_478 : memref<128x64xf32, #tpu.memory_space<vmem>>)
    %dma_wait3A_485 = arith.constant 11 : i32
    %dma_wait3A_486 = arith.constant 384 : i32
    %dma_wait3A_487 = arith.constant 0 : i32
    %dma_wait3A_488 = tpu.memref_slice %arg14[%dma_wait3A_486, %dma_wait3A_487] : memref<512x64xf32, #tpu.memory_space<vmem>> -> memref<128x64xf32, #tpu.memory_space<vmem>>
    %dma_wait3A_489 = arith.constant 0 : i32
    %dma_wait3A_490 = tpu.memref_slice %arg12[%dma_wait3A_485, %dma_wait3A_489] : memref<20x128xi32, #tpu.memory_space<vmem>> -> memref<1x128xi32, #tpu.memory_space<vmem>>
    %dma_wait3A_491 = tpu.memref_squeeze %dma_wait3A_490 : memref<1x128xi32, #tpu.memory_space<vmem>> -> memref<128xi32, #tpu.memory_space<vmem>>
    %dma_wait3A_492 = arith.constant 0 : i32
    %dma_wait3A_493 = arith.constant 0 : i32
    %dma_wait3A_494 = tpu.memref_slice %arg3[%dma_wait3A_492, %dma_wait3A_493] : memref<1000000x64xf32, #tpu.memory_space<hbm>> -> memref<1000000x64xf32, #tpu.memory_space<hbm>>
    tpu.wait_indirect_dma semaphore(%arg17 : memref<!tpu.dma_semaphore, #tpu.memory_space<semaphore_mem>>) src(%dma_wait3A_494 : memref<1000000x64xf32, #tpu.memory_space<hbm>>) dst(%dma_wait3A_488 : memref<128x64xf32, #tpu.memory_space<vmem>>)
    %dma_start3A_495 = arith.constant 0 : i32
    %dma_start3A_496 = tpu.memref_slice %arg9[%add3A_20, %dma_start3A_495] : memref<81920x64xf32, #tpu.memory_space<hbm>> -> memref<512x64xf32, #tpu.memory_space<hbm>>
    %dma_start3A_497 = arith.constant 0 : i32
    %dma_start3A_498 = tpu.memref_slice %arg9[%add3A_20, %dma_start3A_497] : memref<81920x64xf32, #tpu.memory_space<hbm>> -> memref<512x64xf32, #tpu.memory_space<hbm>>
    tpu.enqueue_dma source(%arg14 : memref<512x64xf32, #tpu.memory_space<vmem>>) target(%dma_start3A_498 : memref<512x64xf32, #tpu.memory_space<hbm>>) target_semaphore(%arg20 : memref<!tpu.dma_semaphore, #tpu.memory_space<semaphore_mem>>)
    %dma_wait3A_499 = arith.constant 0 : i32
    %dma_wait3A_500 = tpu.memref_slice %arg9[%add3A_16, %dma_wait3A_499] : memref<81920x64xf32, #tpu.memory_space<hbm>> -> memref<512x64xf32, #tpu.memory_space<hbm>>
    %dma_wait3A_501 = arith.constant 0 : i32
    %dma_wait3A_502 = tpu.memref_slice %arg9[%add3A_16, %dma_wait3A_501] : memref<81920x64xf32, #tpu.memory_space<hbm>> -> memref<512x64xf32, #tpu.memory_space<hbm>>
    tpu.wait_dma2 semaphore(%arg19 : memref<!tpu.dma_semaphore, #tpu.memory_space<semaphore_mem>>) src(%arg13 : memref<512x64xf32, #tpu.memory_space<vmem>>) dst(%dma_wait3A_502 : memref<512x64xf32, #tpu.memory_space<hbm>>)
    %dma_start3A_503 = arith.constant 16 : i32
    %dma_start3A_504 = arith.constant 0 : i32
    %dma_start3A_505 = arith.constant 0 : i32
    %dma_start3A_506 = tpu.memref_slice %arg13[%dma_start3A_504, %dma_start3A_505] : memref<512x64xf32, #tpu.memory_space<vmem>> -> memref<128x64xf32, #tpu.memory_space<vmem>>
    %dma_start3A_507 = arith.constant 0 : i32
    %dma_start3A_508 = tpu.memref_slice %arg12[%dma_start3A_503, %dma_start3A_507] : memref<20x128xi32, #tpu.memory_space<vmem>> -> memref<1x128xi32, #tpu.memory_space<vmem>>
    %dma_start3A_509 = tpu.memref_squeeze %dma_start3A_508 : memref<1x128xi32, #tpu.memory_space<vmem>> -> memref<128xi32, #tpu.memory_space<vmem>>
    %dma_start3A_510 = arith.constant 0 : i32
    %dma_start3A_511 = arith.constant 0 : i32
    %dma_start3A_512 = tpu.memref_slice %arg3[%dma_start3A_510, %dma_start3A_511] : memref<1000000x64xf32, #tpu.memory_space<hbm>> -> memref<1000000x64xf32, #tpu.memory_space<hbm>>
    tpu.enqueue_indirect_dma source(%dma_start3A_512 : memref<1000000x64xf32, #tpu.memory_space<hbm>>) target(%dma_start3A_506 : memref<128x64xf32, #tpu.memory_space<vmem>>) offsets(%dma_start3A_509 : memref<128xi32, #tpu.memory_space<vmem>>) semaphore(%arg16 : memref<!tpu.dma_semaphore, #tpu.memory_space<semaphore_mem>>)
    %dma_start3A_513 = arith.constant 17 : i32
    %dma_start3A_514 = arith.constant 128 : i32
    %dma_start3A_515 = arith.constant 0 : i32
    %dma_start3A_516 = tpu.memref_slice %arg13[%dma_start3A_514, %dma_start3A_515] : memref<512x64xf32, #tpu.memory_space<vmem>> -> memref<128x64xf32, #tpu.memory_space<vmem>>
    %dma_start3A_517 = arith.constant 0 : i32
    %dma_start3A_518 = tpu.memref_slice %arg12[%dma_start3A_513, %dma_start3A_517] : memref<20x128xi32, #tpu.memory_space<vmem>> -> memref<1x128xi32, #tpu.memory_space<vmem>>
    %dma_start3A_519 = tpu.memref_squeeze %dma_start3A_518 : memref<1x128xi32, #tpu.memory_space<vmem>> -> memref<128xi32, #tpu.memory_space<vmem>>
    %dma_start3A_520 = arith.constant 0 : i32
    %dma_start3A_521 = arith.constant 0 : i32
    %dma_start3A_522 = tpu.memref_slice %arg3[%dma_start3A_520, %dma_start3A_521] : memref<1000000x64xf32, #tpu.memory_space<hbm>> -> memref<1000000x64xf32, #tpu.memory_space<hbm>>
    tpu.enqueue_indirect_dma source(%dma_start3A_522 : memref<1000000x64xf32, #tpu.memory_space<hbm>>) target(%dma_start3A_516 : memref<128x64xf32, #tpu.memory_space<vmem>>) offsets(%dma_start3A_519 : memref<128xi32, #tpu.memory_space<vmem>>) semaphore(%arg16 : memref<!tpu.dma_semaphore, #tpu.memory_space<semaphore_mem>>)
    %dma_start3A_523 = arith.constant 18 : i32
    %dma_start3A_524 = arith.constant 256 : i32
    %dma_start3A_525 = arith.constant 0 : i32
    %dma_start3A_526 = tpu.memref_slice %arg13[%dma_start3A_524, %dma_start3A_525] : memref<512x64xf32, #tpu.memory_space<vmem>> -> memref<128x64xf32, #tpu.memory_space<vmem>>
    %dma_start3A_527 = arith.constant 0 : i32
    %dma_start3A_528 = tpu.memref_slice %arg12[%dma_start3A_523, %dma_start3A_527] : memref<20x128xi32, #tpu.memory_space<vmem>> -> memref<1x128xi32, #tpu.memory_space<vmem>>
    %dma_start3A_529 = tpu.memref_squeeze %dma_start3A_528 : memref<1x128xi32, #tpu.memory_space<vmem>> -> memref<128xi32, #tpu.memory_space<vmem>>
    %dma_start3A_530 = arith.constant 0 : i32
    %dma_start3A_531 = arith.constant 0 : i32
    %dma_start3A_532 = tpu.memref_slice %arg3[%dma_start3A_530, %dma_start3A_531] : memref<1000000x64xf32, #tpu.memory_space<hbm>> -> memref<1000000x64xf32, #tpu.memory_space<hbm>>
    tpu.enqueue_indirect_dma source(%dma_start3A_532 : memref<1000000x64xf32, #tpu.memory_space<hbm>>) target(%dma_start3A_526 : memref<128x64xf32, #tpu.memory_space<vmem>>) offsets(%dma_start3A_529 : memref<128xi32, #tpu.memory_space<vmem>>) semaphore(%arg16 : memref<!tpu.dma_semaphore, #tpu.memory_space<semaphore_mem>>)
    %dma_start3A_533 = arith.constant 19 : i32
    %dma_start3A_534 = arith.constant 384 : i32
    %dma_start3A_535 = arith.constant 0 : i32
    %dma_start3A_536 = tpu.memref_slice %arg13[%dma_start3A_534, %dma_start3A_535] : memref<512x64xf32, #tpu.memory_space<vmem>> -> memref<128x64xf32, #tpu.memory_space<vmem>>
    %dma_start3A_537 = arith.constant 0 : i32
    %dma_start3A_538 = tpu.memref_slice %arg12[%dma_start3A_533, %dma_start3A_537] : memref<20x128xi32, #tpu.memory_space<vmem>> -> memref<1x128xi32, #tpu.memory_space<vmem>>
    %dma_start3A_539 = tpu.memref_squeeze %dma_start3A_538 : memref<1x128xi32, #tpu.memory_space<vmem>> -> memref<128xi32, #tpu.memory_space<vmem>>
    %dma_start3A_540 = arith.constant 0 : i32
    %dma_start3A_541 = arith.constant 0 : i32
    %dma_start3A_542 = tpu.memref_slice %arg3[%dma_start3A_540, %dma_start3A_541] : memref<1000000x64xf32, #tpu.memory_space<hbm>> -> memref<1000000x64xf32, #tpu.memory_space<hbm>>
    tpu.enqueue_indirect_dma source(%dma_start3A_542 : memref<1000000x64xf32, #tpu.memory_space<hbm>>) target(%dma_start3A_536 : memref<128x64xf32, #tpu.memory_space<vmem>>) offsets(%dma_start3A_539 : memref<128xi32, #tpu.memory_space<vmem>>) semaphore(%arg16 : memref<!tpu.dma_semaphore, #tpu.memory_space<semaphore_mem>>)
    %dma_wait3A_543 = arith.constant 12 : i32
    %dma_wait3A_544 = arith.constant 0 : i32
    %dma_wait3A_545 = arith.constant 0 : i32
    %dma_wait3A_546 = tpu.memref_slice %arg15[%dma_wait3A_544, %dma_wait3A_545] : memref<512x64xf32, #tpu.memory_space<vmem>> -> memref<128x64xf32, #tpu.memory_space<vmem>>
    %dma_wait3A_547 = arith.constant 0 : i32
    %dma_wait3A_548 = tpu.memref_slice %arg12[%dma_wait3A_543, %dma_wait3A_547] : memref<20x128xi32, #tpu.memory_space<vmem>> -> memref<1x128xi32, #tpu.memory_space<vmem>>
    %dma_wait3A_549 = tpu.memref_squeeze %dma_wait3A_548 : memref<1x128xi32, #tpu.memory_space<vmem>> -> memref<128xi32, #tpu.memory_space<vmem>>
    %dma_wait3A_550 = arith.constant 0 : i32
    %dma_wait3A_551 = arith.constant 0 : i32
    %dma_wait3A_552 = tpu.memref_slice %arg3[%dma_wait3A_550, %dma_wait3A_551] : memref<1000000x64xf32, #tpu.memory_space<hbm>> -> memref<1000000x64xf32, #tpu.memory_space<hbm>>
    tpu.wait_indirect_dma semaphore(%arg18 : memref<!tpu.dma_semaphore, #tpu.memory_space<semaphore_mem>>) src(%dma_wait3A_552 : memref<1000000x64xf32, #tpu.memory_space<hbm>>) dst(%dma_wait3A_546 : memref<128x64xf32, #tpu.memory_space<vmem>>)
    %dma_wait3A_553 = arith.constant 13 : i32
    %dma_wait3A_554 = arith.constant 128 : i32
    %dma_wait3A_555 = arith.constant 0 : i32
    %dma_wait3A_556 = tpu.memref_slice %arg15[%dma_wait3A_554, %dma_wait3A_555] : memref<512x64xf32, #tpu.memory_space<vmem>> -> memref<128x64xf32, #tpu.memory_space<vmem>>
    %dma_wait3A_557 = arith.constant 0 : i32
    %dma_wait3A_558 = tpu.memref_slice %arg12[%dma_wait3A_553, %dma_wait3A_557] : memref<20x128xi32, #tpu.memory_space<vmem>> -> memref<1x128xi32, #tpu.memory_space<vmem>>
    %dma_wait3A_559 = tpu.memref_squeeze %dma_wait3A_558 : memref<1x128xi32, #tpu.memory_space<vmem>> -> memref<128xi32, #tpu.memory_space<vmem>>
    %dma_wait3A_560 = arith.constant 0 : i32
    %dma_wait3A_561 = arith.constant 0 : i32
    %dma_wait3A_562 = tpu.memref_slice %arg3[%dma_wait3A_560, %dma_wait3A_561] : memref<1000000x64xf32, #tpu.memory_space<hbm>> -> memref<1000000x64xf32, #tpu.memory_space<hbm>>
    tpu.wait_indirect_dma semaphore(%arg18 : memref<!tpu.dma_semaphore, #tpu.memory_space<semaphore_mem>>) src(%dma_wait3A_562 : memref<1000000x64xf32, #tpu.memory_space<hbm>>) dst(%dma_wait3A_556 : memref<128x64xf32, #tpu.memory_space<vmem>>)
    %dma_wait3A_563 = arith.constant 14 : i32
    %dma_wait3A_564 = arith.constant 256 : i32
    %dma_wait3A_565 = arith.constant 0 : i32
    %dma_wait3A_566 = tpu.memref_slice %arg15[%dma_wait3A_564, %dma_wait3A_565] : memref<512x64xf32, #tpu.memory_space<vmem>> -> memref<128x64xf32, #tpu.memory_space<vmem>>
    %dma_wait3A_567 = arith.constant 0 : i32
    %dma_wait3A_568 = tpu.memref_slice %arg12[%dma_wait3A_563, %dma_wait3A_567] : memref<20x128xi32, #tpu.memory_space<vmem>> -> memref<1x128xi32, #tpu.memory_space<vmem>>
    %dma_wait3A_569 = tpu.memref_squeeze %dma_wait3A_568 : memref<1x128xi32, #tpu.memory_space<vmem>> -> memref<128xi32, #tpu.memory_space<vmem>>
    %dma_wait3A_570 = arith.constant 0 : i32
    %dma_wait3A_571 = arith.constant 0 : i32
    %dma_wait3A_572 = tpu.memref_slice %arg3[%dma_wait3A_570, %dma_wait3A_571] : memref<1000000x64xf32, #tpu.memory_space<hbm>> -> memref<1000000x64xf32, #tpu.memory_space<hbm>>
    tpu.wait_indirect_dma semaphore(%arg18 : memref<!tpu.dma_semaphore, #tpu.memory_space<semaphore_mem>>) src(%dma_wait3A_572 : memref<1000000x64xf32, #tpu.memory_space<hbm>>) dst(%dma_wait3A_566 : memref<128x64xf32, #tpu.memory_space<vmem>>)
    %dma_wait3A_573 = arith.constant 15 : i32
    %dma_wait3A_574 = arith.constant 384 : i32
    %dma_wait3A_575 = arith.constant 0 : i32
    %dma_wait3A_576 = tpu.memref_slice %arg15[%dma_wait3A_574, %dma_wait3A_575] : memref<512x64xf32, #tpu.memory_space<vmem>> -> memref<128x64xf32, #tpu.memory_space<vmem>>
    %dma_wait3A_577 = arith.constant 0 : i32
    %dma_wait3A_578 = tpu.memref_slice %arg12[%dma_wait3A_573, %dma_wait3A_577] : memref<20x128xi32, #tpu.memory_space<vmem>> -> memref<1x128xi32, #tpu.memory_space<vmem>>
    %dma_wait3A_579 = tpu.memref_squeeze %dma_wait3A_578 : memref<1x128xi32, #tpu.memory_space<vmem>> -> memref<128xi32, #tpu.memory_space<vmem>>
    %dma_wait3A_580 = arith.constant 0 : i32
    %dma_wait3A_581 = arith.constant 0 : i32
    %dma_wait3A_582 = tpu.memref_slice %arg3[%dma_wait3A_580, %dma_wait3A_581] : memref<1000000x64xf32, #tpu.memory_space<hbm>> -> memref<1000000x64xf32, #tpu.memory_space<hbm>>
    tpu.wait_indirect_dma semaphore(%arg18 : memref<!tpu.dma_semaphore, #tpu.memory_space<semaphore_mem>>) src(%dma_wait3A_582 : memref<1000000x64xf32, #tpu.memory_space<hbm>>) dst(%dma_wait3A_576 : memref<128x64xf32, #tpu.memory_space<vmem>>)
    %dma_start3A_583 = arith.constant 0 : i32
    %dma_start3A_584 = tpu.memref_slice %arg9[%add3A_24, %dma_start3A_583] : memref<81920x64xf32, #tpu.memory_space<hbm>> -> memref<512x64xf32, #tpu.memory_space<hbm>>
    %dma_start3A_585 = arith.constant 0 : i32
    %dma_start3A_586 = tpu.memref_slice %arg9[%add3A_24, %dma_start3A_585] : memref<81920x64xf32, #tpu.memory_space<hbm>> -> memref<512x64xf32, #tpu.memory_space<hbm>>
    tpu.enqueue_dma source(%arg15 : memref<512x64xf32, #tpu.memory_space<vmem>>) target(%dma_start3A_586 : memref<512x64xf32, #tpu.memory_space<hbm>>) target_semaphore(%arg21 : memref<!tpu.dma_semaphore, #tpu.memory_space<semaphore_mem>>)
    %dma_wait3A_587 = arith.constant 16 : i32
    %dma_wait3A_588 = arith.constant 0 : i32
    %dma_wait3A_589 = arith.constant 0 : i32
    %dma_wait3A_590 = tpu.memref_slice %arg13[%dma_wait3A_588, %dma_wait3A_589] : memref<512x64xf32, #tpu.memory_space<vmem>> -> memref<128x64xf32, #tpu.memory_space<vmem>>
    %dma_wait3A_591 = arith.constant 0 : i32
    %dma_wait3A_592 = tpu.memref_slice %arg12[%dma_wait3A_587, %dma_wait3A_591] : memref<20x128xi32, #tpu.memory_space<vmem>> -> memref<1x128xi32, #tpu.memory_space<vmem>>
    %dma_wait3A_593 = tpu.memref_squeeze %dma_wait3A_592 : memref<1x128xi32, #tpu.memory_space<vmem>> -> memref<128xi32, #tpu.memory_space<vmem>>
    %dma_wait3A_594 = arith.constant 0 : i32
    %dma_wait3A_595 = arith.constant 0 : i32
    %dma_wait3A_596 = tpu.memref_slice %arg3[%dma_wait3A_594, %dma_wait3A_595] : memref<1000000x64xf32, #tpu.memory_space<hbm>> -> memref<1000000x64xf32, #tpu.memory_space<hbm>>
    tpu.wait_indirect_dma semaphore(%arg16 : memref<!tpu.dma_semaphore, #tpu.memory_space<semaphore_mem>>) src(%dma_wait3A_596 : memref<1000000x64xf32, #tpu.memory_space<hbm>>) dst(%dma_wait3A_590 : memref<128x64xf32, #tpu.memory_space<vmem>>)
    %dma_wait3A_597 = arith.constant 17 : i32
    %dma_wait3A_598 = arith.constant 128 : i32
    %dma_wait3A_599 = arith.constant 0 : i32
    %dma_wait3A_600 = tpu.memref_slice %arg13[%dma_wait3A_598, %dma_wait3A_599] : memref<512x64xf32, #tpu.memory_space<vmem>> -> memref<128x64xf32, #tpu.memory_space<vmem>>
    %dma_wait3A_601 = arith.constant 0 : i32
    %dma_wait3A_602 = tpu.memref_slice %arg12[%dma_wait3A_597, %dma_wait3A_601] : memref<20x128xi32, #tpu.memory_space<vmem>> -> memref<1x128xi32, #tpu.memory_space<vmem>>
    %dma_wait3A_603 = tpu.memref_squeeze %dma_wait3A_602 : memref<1x128xi32, #tpu.memory_space<vmem>> -> memref<128xi32, #tpu.memory_space<vmem>>
    %dma_wait3A_604 = arith.constant 0 : i32
    %dma_wait3A_605 = arith.constant 0 : i32
    %dma_wait3A_606 = tpu.memref_slice %arg3[%dma_wait3A_604, %dma_wait3A_605] : memref<1000000x64xf32, #tpu.memory_space<hbm>> -> memref<1000000x64xf32, #tpu.memory_space<hbm>>
    tpu.wait_indirect_dma semaphore(%arg16 : memref<!tpu.dma_semaphore, #tpu.memory_space<semaphore_mem>>) src(%dma_wait3A_606 : memref<1000000x64xf32, #tpu.memory_space<hbm>>) dst(%dma_wait3A_600 : memref<128x64xf32, #tpu.memory_space<vmem>>)
    %dma_wait3A_607 = arith.constant 18 : i32
    %dma_wait3A_608 = arith.constant 256 : i32
    %dma_wait3A_609 = arith.constant 0 : i32
    %dma_wait3A_610 = tpu.memref_slice %arg13[%dma_wait3A_608, %dma_wait3A_609] : memref<512x64xf32, #tpu.memory_space<vmem>> -> memref<128x64xf32, #tpu.memory_space<vmem>>
    %dma_wait3A_611 = arith.constant 0 : i32
    %dma_wait3A_612 = tpu.memref_slice %arg12[%dma_wait3A_607, %dma_wait3A_611] : memref<20x128xi32, #tpu.memory_space<vmem>> -> memref<1x128xi32, #tpu.memory_space<vmem>>
    %dma_wait3A_613 = tpu.memref_squeeze %dma_wait3A_612 : memref<1x128xi32, #tpu.memory_space<vmem>> -> memref<128xi32, #tpu.memory_space<vmem>>
    %dma_wait3A_614 = arith.constant 0 : i32
    %dma_wait3A_615 = arith.constant 0 : i32
    %dma_wait3A_616 = tpu.memref_slice %arg3[%dma_wait3A_614, %dma_wait3A_615] : memref<1000000x64xf32, #tpu.memory_space<hbm>> -> memref<1000000x64xf32, #tpu.memory_space<hbm>>
    tpu.wait_indirect_dma semaphore(%arg16 : memref<!tpu.dma_semaphore, #tpu.memory_space<semaphore_mem>>) src(%dma_wait3A_616 : memref<1000000x64xf32, #tpu.memory_space<hbm>>) dst(%dma_wait3A_610 : memref<128x64xf32, #tpu.memory_space<vmem>>)
    %dma_wait3A_617 = arith.constant 19 : i32
    %dma_wait3A_618 = arith.constant 384 : i32
    %dma_wait3A_619 = arith.constant 0 : i32
    %dma_wait3A_620 = tpu.memref_slice %arg13[%dma_wait3A_618, %dma_wait3A_619] : memref<512x64xf32, #tpu.memory_space<vmem>> -> memref<128x64xf32, #tpu.memory_space<vmem>>
    %dma_wait3A_621 = arith.constant 0 : i32
    %dma_wait3A_622 = tpu.memref_slice %arg12[%dma_wait3A_617, %dma_wait3A_621] : memref<20x128xi32, #tpu.memory_space<vmem>> -> memref<1x128xi32, #tpu.memory_space<vmem>>
    %dma_wait3A_623 = tpu.memref_squeeze %dma_wait3A_622 : memref<1x128xi32, #tpu.memory_space<vmem>> -> memref<128xi32, #tpu.memory_space<vmem>>
    %dma_wait3A_624 = arith.constant 0 : i32
    %dma_wait3A_625 = arith.constant 0 : i32
    %dma_wait3A_626 = tpu.memref_slice %arg3[%dma_wait3A_624, %dma_wait3A_625] : memref<1000000x64xf32, #tpu.memory_space<hbm>> -> memref<1000000x64xf32, #tpu.memory_space<hbm>>
    tpu.wait_indirect_dma semaphore(%arg16 : memref<!tpu.dma_semaphore, #tpu.memory_space<semaphore_mem>>) src(%dma_wait3A_626 : memref<1000000x64xf32, #tpu.memory_space<hbm>>) dst(%dma_wait3A_620 : memref<128x64xf32, #tpu.memory_space<vmem>>)
    %dma_start3A_627 = arith.constant 0 : i32
    %dma_start3A_628 = tpu.memref_slice %arg9[%add3A_28, %dma_start3A_627] : memref<81920x64xf32, #tpu.memory_space<hbm>> -> memref<512x64xf32, #tpu.memory_space<hbm>>
    %dma_start3A_629 = arith.constant 0 : i32
    %dma_start3A_630 = tpu.memref_slice %arg9[%add3A_28, %dma_start3A_629] : memref<81920x64xf32, #tpu.memory_space<hbm>> -> memref<512x64xf32, #tpu.memory_space<hbm>>
    tpu.enqueue_dma source(%arg13 : memref<512x64xf32, #tpu.memory_space<vmem>>) target(%dma_start3A_630 : memref<512x64xf32, #tpu.memory_space<hbm>>) target_semaphore(%arg19 : memref<!tpu.dma_semaphore, #tpu.memory_space<semaphore_mem>>)
    %dma_wait3A_631 = arith.constant 0 : i32
    %dma_wait3A_632 = tpu.memref_slice %arg9[%add3A_20, %dma_wait3A_631] : memref<81920x64xf32, #tpu.memory_space<hbm>> -> memref<512x64xf32, #tpu.memory_space<hbm>>
    %dma_wait3A_633 = arith.constant 0 : i32
    %dma_wait3A_634 = tpu.memref_slice %arg9[%add3A_20, %dma_wait3A_633] : memref<81920x64xf32, #tpu.memory_space<hbm>> -> memref<512x64xf32, #tpu.memory_space<hbm>>
    tpu.wait_dma2 semaphore(%arg20 : memref<!tpu.dma_semaphore, #tpu.memory_space<semaphore_mem>>) src(%arg14 : memref<512x64xf32, #tpu.memory_space<vmem>>) dst(%dma_wait3A_634 : memref<512x64xf32, #tpu.memory_space<hbm>>)
    %dma_wait3A_635 = arith.constant 0 : i32
    %dma_wait3A_636 = tpu.memref_slice %arg9[%add3A_24, %dma_wait3A_635] : memref<81920x64xf32, #tpu.memory_space<hbm>> -> memref<512x64xf32, #tpu.memory_space<hbm>>
    %dma_wait3A_637 = arith.constant 0 : i32
    %dma_wait3A_638 = tpu.memref_slice %arg9[%add3A_24, %dma_wait3A_637] : memref<81920x64xf32, #tpu.memory_space<hbm>> -> memref<512x64xf32, #tpu.memory_space<hbm>>
    tpu.wait_dma2 semaphore(%arg21 : memref<!tpu.dma_semaphore, #tpu.memory_space<semaphore_mem>>) src(%arg15 : memref<512x64xf32, #tpu.memory_space<vmem>>) dst(%dma_wait3A_638 : memref<512x64xf32, #tpu.memory_space<hbm>>)
    %dma_wait3A_639 = arith.constant 0 : i32
    %dma_wait3A_640 = tpu.memref_slice %arg9[%add3A_28, %dma_wait3A_639] : memref<81920x64xf32, #tpu.memory_space<hbm>> -> memref<512x64xf32, #tpu.memory_space<hbm>>
    %dma_wait3A_641 = arith.constant 0 : i32
    %dma_wait3A_642 = tpu.memref_slice %arg9[%add3A_28, %dma_wait3A_641] : memref<81920x64xf32, #tpu.memory_space<hbm>> -> memref<512x64xf32, #tpu.memory_space<hbm>>
    tpu.wait_dma2 semaphore(%arg19 : memref<!tpu.dma_semaphore, #tpu.memory_space<semaphore_mem>>) src(%arg13 : memref<512x64xf32, #tpu.memory_space<vmem>>) dst(%dma_wait3A_642 : memref<512x64xf32, #tpu.memory_space<hbm>>)
    return
  }
}

</mosaic_0001>

<sc_bundles>
// kernel: _sg_gather.3.cloned.1.call-start
scs
__scs_entry_jumppad:
0x0: {  	(pc) =	sbr.rel $0x88, $3  }
0x1: {  	(tag) =	ssettag $0x0;
	lr =	simm.s32 $0x1  }
0x2: {  	[smem:$0x3F9C] =	sst lr;
	_ =	strace $0xD0000000  }
0x3: {  	_ = 	snop  }
0x4: {  	_ = 	snop  }
0x5: {  	_ = 	snop  }
0x6: {  	_ = 	snop  }
0x7: {  	_ = 	snop  }
__scs_overlays_trampoline_lowered:
0x8: {  	[smem:$0x3FAB] =	sst s0  }
0x9: {  	[smem:$0x3FAC] =	sst s1  }
0xa: {  	[smem:$0x3FAD] =	sst s2  }
0xb: {  	[smem:$0x3FAE] =	sst s3  }
0xc: {  	[smem:$0x3FAF] =	sst s4  }
0xd: {  	[smem:$0x3FB0] =	sst s5  }
0xe: {  	[smem:$0x3FB1] =	sst s6  }
0xf: {  	[smem:$0x3FB2] =	sst s7  }
0x10: {  	[smem:$0x3FB3] =	sst s8  }
0x11: {  	[smem:$0x3FB4] =	sst s9;
	s0 =	simm.s32 @!p0 $0x0  }
0x12: {  	s1 =	sld [smem:$0x3F9A];
	s0 =	simm.s32 @p0 $0x1  }
0x13: {  	[smem:$0x3FB5] =	sst s0;
	s0 =	simm.s32 @!p1 $0x0  }
0x14: {  	s2 =	sld [smem:$0x3F99];
	s0 =	simm.s32 @p1 $0x1  }
0x15: {  	[smem:$0x3FB6] =	sst s0;
	s0 =	simm.s32 @!p2 $0x0  }
0x16: {  	s3 =	sld [smem:$0x3FDB];
	s0 =	simm.s32 @p2 $0x1  }
0x17: {  	s4 =	simm.s32 $0x1BF5;
	[smem:$0x3FB8] =	sst s0  }
0x18: {  	s0 =	sld [smem:$0x3F9B];
	_ =	swait.ge [sflag:s4], $0x0  }
0x19: {  	s7 =	sld [smem:$0x3F9C]  }
0x1a: {  	s8 =	sadd.s32 $0xFFFFE003, lr  }
0x1b: {  	s9 =	sadd.s32 $0xFFFFFEF7, lr;
	s5 =	simm.s32 $0xFFFFFFFF;
	p2 =	slt.u32 s8, $0xFFFFF086  }
0x1c: {  	p1 =	slt.u32 s9, $0xF7A;
	s5 =	simm.s32 @!p2 $0x0  }
0x1d: {  	s5 =	simm.s32 @p1 $0x1;
	p0 =	seq.s32 s7, s2  }
0x1e: {  	s7 =	smul.u32 @!p0 $0xF7A, s2;
	p2 =	seq.s32 @!p0 s5, $0x0  }
0x1f: {  	s9 =	smul.u32 $0xF7A, s1;
	s8 =	simm.s32 @!p0 $0x1BF5;
	p2 =	por !p2, p0  }
0x20: {  	[sflag:s8] =	ssyncset.s32 @!p0 $0xFFFFF086;
	s6 =	sadd.s32 @!p0 s3, s7;
	s7 =	simm.s32 @!p0 $0x108  }
0x21: {  	s3 =	sadd.s32 s3, s9;
	s6 =	sadd.s32 @!p0 $0x88, s6;
	s7 =	simm.s32 @p2 $0x1082  }
0x22: {  	[simem:s7], [sflag:s8] =	dma.local @!p0 [hbm:s6], $0xF7A  }
0x23: {  	s9 =	sor.u32 $0xD0000000, s2;
	s6 =	simm.s32 $0x108;
	_ =	swait.ge @!p0 [sflag:s8], $0x0  }
0x24: {  	s3 =	sadd.s32 $0x88, s3;
	s6 =	simm.s32 @!p1 $0x1082;
	[sflag:s4] =	ssyncset.s32 $0xFFFFF086  }
0x25: {  	[simem:s6], [sflag:s4] =	dma.local [hbm:s3], $0xF7A  }
0x26: {  	[smem:$0x3F9C] =	sst s1;
	(tag) =	ssettag s2;
	_ =	strace s9  }
0x27: {  	s1 =	sld [smem:$0x3FAC]  }
0x28: {  	s2 =	sld [smem:$0x3FAD]  }
0x29: {  	s4 =	sld [smem:$0x3FAF]  }
0x2a: {  	p0 =	seq.s32 s5, $0x0;
	s5 =	sld [smem:$0x3FB0]  }
0x2b: {  	s6 =	sld [smem:$0x3FB1]  }
0x2c: {  	s7 =	sld [smem:$0x3FB2]  }
0x2d: {  	s3 =	simm.s32 $0x108;
	s8 =	sld [smem:$0x3FB3]  }
0x2e: {  	s3 =	simm.s32 @!p0 $0x1082;
	s9 =	sld [smem:$0x3FB4]  }
0x2f: {  	lr =	sadd.s32 s0, s3;
	s0 =	sld [smem:$0x3FAB]  }
0x30: {  	s3 =	sld [smem:$0x3FAE]  }
0x31: {  	[smem:$0x3FB7] =	sst s10  }
0x32: {  	s10 =	sld [smem:$0x3FB5];
	_ =	sdelay $0x3  }
0x33: {  	p0 =	seq.s32 s10, $0x1;
	s10 =	sld [smem:$0x3FB7];
	_ =	sdelay $0x3  }
0x34: {  	[smem:$0x3FB7] =	sst s10  }
0x35: {  	s10 =	sld [smem:$0x3FB6];
	_ =	sdelay $0x3  }
0x36: {  	p1 =	seq.s32 s10, $0x1;
	s10 =	sld [smem:$0x3FB7];
	_ =	sdelay $0x3  }
0x37: {  	[smem:$0x3FB7] =	sst s10  }
0x38: {  	s10 =	sld [smem:$0x3FB8]  }
0x39: {  	_ = 	snop;
	(pc) =	sbr.ind lr, $3  }
0x3a: {  	_ = 	snop  }
0x3b: {  	_ = 	snop  }
0x3c: {  	p2 =	seq.s32 s10, $0x1;
	s10 =	sld [smem:$0x3FB7]  }
0x3d: {  	_ =	shalt  }
0x3e: {  	_ =	shalt  }
0x3f: {  	_ =	shalt  }
0x40: {  	_ =	shalt  }
0x41: {  	_ =	shalt  }
0x42: {  	_ =	shalt  }
0x43: {  	_ =	shalt  }
0x44: {  	_ =	shalt  }
0x45: {  	_ =	shalt  }
0x46: {  	_ =	shalt  }
0x47: {  	_ =	shalt  }
0x48: {  	_ =	shalt  }
0x49: {  	_ =	shalt  }
0x4a: {  	_ =	shalt  }
0x4b: {  	_ =	shalt  }
0x4c: {  	_ =	shalt  }
0x4d: {  	_ =	shalt  }
0x4e: {  	_ =	shalt  }
0x4f: {  	_ =	shalt  }
0x50: {  	_ =	shalt  }
0x51: {  	_ =	shalt  }
0x52: {  	_ =	shalt  }
0x53: {  	_ =	shalt  }
0x54: {  	_ =	shalt  }
0x55: {  	_ =	shalt  }
0x56: {  	_ =	shalt  }
0x57: {  	_ =	shalt  }
0x58: {  	_ =	shalt  }
0x59: {  	_ =	shalt  }
0x5a: {  	_ =	shalt  }
0x5b: {  	_ =	shalt  }
0x5c: {  	_ =	shalt  }
0x5d: {  	_ =	shalt  }
0x5e: {  	_ =	shalt  }
0x5f: {  	_ =	shalt  }
0x60: {  	_ =	shalt  }
0x61: {  	_ =	shalt  }
0x62: {  	_ =	shalt  }
0x63: {  	_ =	shalt  }
0x64: {  	_ =	shalt  }
0x65: {  	_ =	shalt  }
0x66: {  	_ =	shalt  }
0x67: {  	_ =	shalt  }
0x68: {  	_ =	shalt  }
0x69: {  	_ =	shalt  }
0x6a: {  	_ =	shalt  }
0x6b: {  	_ =	shalt  }
0x6c: {  	_ =	shalt  }
0x6d: {  	_ =	shalt  }
0x6e: {  	_ =	shalt  }
0x6f: {  	_ =	shalt  }
0x70: {  	_ =	shalt  }
0x71: {  	_ =	shalt  }
0x72: {  	_ =	shalt  }
0x73: {  	_ =	shalt  }
0x74: {  	_ =	shalt  }
0x75: {  	_ =	shalt  }
0x76: {  	_ =	shalt  }
0x77: {  	_ =	shalt  }
0x78: {  	_ =	shalt  }
0x79: {  	_ =	shalt  }
0x7a: {  	_ =	shalt  }
0x7b: {  	_ =	shalt  }
0x7c: {  	_ =	shalt  }
0x7d: {  	_ =	shalt  }
0x7e: {  	_ =	shalt  }
0x7f: {  	_ =	shalt  }
0x80: {  	_ =	shalt  }
0x81: {  	_ =	shalt  }
0x82: {  	_ =	shalt  }
0x83: {  	_ =	shalt  }
0x84: {  	_ =	shalt  }
0x85: {  	_ =	shalt  }
0x86: {  	_ =	shalt  }
0x87: {  	_ =	shalt  }
.Lfunc_end0:
.L_simem_size_0:
called_computation_lowered:
.L_overlay_start_0:
0x88: {  	s2 =	sld [smem:$0x3FD9]  }
0x89: {  	s3 =	sld [smem:$0x3FFE];
	_ =	sdelay $0x1  }
0x8a: {  	s1 =	srdreg.scid  }
0x8b: {  	s0 =	sand.u32 $0x1, s1  }
0x8c: {  	s14 =	sshll.u32 s0, $0xA;
	s2 =	sadd.s32 s3, s2  }
0x8d: {  	s2 =	sadd.s32 s2, s14  }
0x8e: {  	[smem:$0x3FC3] =	sst s2  }
0x8f: {  	_ = 	snop  }
0x90: {  	s2 =	sld [smem:$0x3FD0];
	_ =	sdelay $0x1  }
0x91: {  	s15 =	sld [smem:$0x3FC9]  }
0x92: {  	s5 =	simm.s32 $0xA;
	s6 =	simm.s32 $0x10;
	s4 =	sld [smem:$0x3FC8]  }
0x93: {  	[smem:s6], [sflag:s5] =	dma.local [hbm:s2], $0x1  }
0x94: {  	_ =	swait.eq [sflag:s5], $0x1  }
0x95: {  	s16 =	sld [smem:$0x10];
	[sflag:s5] =	ssyncset.done $0x0  }
0x96: {  	s17 =	sld [smem:$0x11];
	[sflag:s5] =	ssyncadd.s32 $0xFFFFFFFF  }
0x97: {  	s18 =	sld [smem:$0x12];
	(tm) =	ssettm $0x1  }
0x98: {  	s7 =	sld [smem:$0x3FFB];
	_ =	sdelay $0x3  }
0x99: {  	_ =	strace s7  }
0x9a: {  	s7 =	sld [smem:$0x3FFC];
	_ =	sdelay $0x3  }
0x9b: {  	_ =	strace s7  }
0x9c: {  	s7 =	sld [smem:$0x3FFD];
	_ =	sdelay $0x3  }
0x9d: {  	_ =	strace s7  }
0x9e: {  	_ =	strace $0x8FFFFFFF  }
0x9f: {  	s19 =	sld [smem:$0x3FDB];
	_ =	sdelay $0x1  }
0xa0: {  	s8 =	simm.s32 $_scs_section_size  }
0xa1: {  	s9 =	simm.s32 $_size__tile_overlayer_lowered;
	s10 =	simm.s32 $_tile_overlayer_lowered  }
0xa2: {  	s22 =	simm.s32 $0x1BFF;
	s21 =	sshll.u32 s10, $0x1;
	s7 =	sadd.s32 s8, s19  }
0xa3: {  	s11 =	simm.s32 $0x0;
	s20 =	sshll.u32 s9, $0x1;
	s9 =	sadd.s32 s21, s7  }
0xa4: {  	[timem:s11], [sflag:s22] =	dma.local [hbm:s9], s20  }
0xa5: {  	_ =	swait.ge [sflag:s22], s20  }
0xa6: {  	s8 =	ssub.s32 $0x0, s20;
	[sflag:s22] =	ssyncset.done $0x0  }
0xa7: {  	[sflag:s22] =	ssyncadd.s32 s8;
	_ =	sdelay $0x1  }
0xa8: {  	s23 =	simm.s32 $0x1B8B  }
0xa9: {  	_ =	swait.ge [sflag:s23], $0x1  }
0xaa: {  	[sflag:s23] =	ssyncset.done $0x0  }
0xab: {  	s25 =	simm.s32 $0x1B8E;
	s24 =	sld [smem:$0x3FFE];
	[sflag:s23] =	ssyncadd.s32 $0xFFFFFFFF  }
0xac: {  	s26 =	simm.s32 $execute0_lowered;
	[smem:$0x3FD2] =	sst s25  }
0xad: {  	s9 =	sshll.u32 s26, $0x1;
	_ =	strace $0x80000046;
	[dreg:$0x1] =	wrdreg $0xFFFFFFFF  }
0xae: {  	s28 =	simm.s32 $_size_execute0_lowered;
	s7 =	sadd.s32 s7, s9;
	[dreg:$0x0] =	wrdreg $0x0  }
0xaf: {  	s9 =	sshll.u32 s28, $0x1;
	[dreg:$0x2] =	wrdreg s7  }
0xb0: {  	[dreg:$0x3] =	wrdreg s9  }
0xb1: {  	[dreg:$0x4] =	wrdreg $0xC0  }
0xb2: {  	_ =	task [dreg:s11], $0x5FFFF  }
0xb3: {  	[dreg:$0x1] =	wrdreg $0xFFFFFFFF  }
0xb4: {  	[dreg:$0x0] =	wrdreg $0x60  }
0xb5: {  	[dreg:$0x2] =	wrdreg s24  }
0xb6: {  	[dreg:$0x3] =	wrdreg s15  }
0xb7: {  	[dreg:$0x4] =	wrdreg s4  }
0xb8: {  	[dreg:$0x5] =	wrdreg s16  }
0xb9: {  	[dreg:$0x6] =	wrdreg s17  }
0xba: {  	[dreg:$0x7] =	wrdreg s18  }
0xbb: {  	[dreg:$0x8] =	wrdreg $0x9  }
0xbc: {  	_ =	task.clear_ibuf [dreg:s11], $0x9FFFF;
	_ =	strace $0x90000046  }
0xbd: {  	s29 =	simm.s32 $0x9;
	_ =	strace $0x80000048  }
0xbe: {  	_ =	swait.ge [sflag:s29], $0x1  }
0xbf: {  	[sflag:s29] =	ssyncadd.s32 $0xFFFFFFFF  }
0xc0: {  	_ =	strace $0x90000048  }
0xc1: {  	_ =	sfence  }
0xc2: {  	s30 =	sld [smem:$0x0];
	_ =	sdelay $0x2  }
0xc3: {  	s31 =	sshll.u32 s1, $0xD;
	s1 =	sshrl.u32 s1, $0x2  }
0xc4: {  	s3 =	sand.u32 $0x4000, s31;
	s1 =	sadd.s32 s1, s30  }
0xc5: {  	s0 =	sor.u32 s3, s0;
	s1 =	sshll.u32 s1, $0x11  }
0xc6: {  	s0 =	sor.u32 s1, s0  }
0xc7: {  	s0 =	sadd.s32 $0x8F2B, s0  }
0xc8: {  	[sflag:s0] =	ssyncadd.remote.s32 $0x1  }
0xc9: {  	_ =	sfence.sel $0xFFFF  }
0xca: {  	[dreg:$0x0] =	wrdreg $0xFFFFFFFF;
	(pc) =	sbr.abs _section_cstart, $3  }
0xcb: {  	[dreg:$0x1] =	wrdreg $0xFFFFFFFF  }
0xcc: {  	_ =	task.clear_ibuf [dreg:s11], $0x2FFFF;
	_ =	strace $0x9FFFFFFF  }
0xcd: {  	(tm) =	ssettm $0x7FFFFFFF  }
tec
execute0_lowered:
.L_overlay_start_1:
0x0: {  	(tag) =	ssettag $0x1  }
0x1: {  	s0 =	rddreg [dreg:$0x0]  }
0x2: {  	s1 =	rddreg [dreg:$0x1]  }
0x3: {  	s3 =	rddreg [dreg:$0x2]  }
0x4: {  	s4 =	rddreg [dreg:$0x3]  }
0x5: {  	s5 =	rddreg [dreg:$0x4]  }
0x6: {  	s6 =	rddreg [dreg:$0x5]  }
0x7: {  	s19 =	rddreg [dreg:$0x6];
	s7 =	srdreg.scid  }
0x8: {  	s8 =	stileid.u32;
	s2 =	simm.s32 $0x0;
	s16 =	simm.s32 $0x100  }
0x9: {  	s31 =	simm.s32 $0x7;
	s17 =	simm.s32 $0x180;
	[smem:$0x7FF] =	sst s2  }
0xa: {  	s30 =	simm.s32 $0x200;
	_ =	strace $0x80000047;
	[dreg:$0x11] =	wrdreg s16  }
0xb: {  	s18 =	simm.s32 $0x280;
	s29 =	simm.s32 $0x400;
	[dreg:$0x12] =	wrdreg s17  }
0xc: {  	s20 =	simm.s32 $0x300;
	s21 =	simm.s32 $0x380;
	[dreg:$0x13] =	wrdreg s18  }
0xd: {  	s22 =	simm.s32 $0x480;
	s23 =	simm.s32 $0x500;
	[dreg:$0x14] =	wrdreg s20  }
0xe: {  	p0 =	por $0x0, $0x0;
	s7 =	sand.u32 $0x1, s7;
	[dreg:$0x15] =	wrdreg s21  }
0xf: {  	s8 =	sshll.u32 s8, $0x1;
	s28 =	sadd.s32 $0x16E4400, s0;
	[dreg:$0x16] =	wrdreg s22  }
0x10: {  	s8 =	sor.u32 s7, s8;
	[dreg:$0x17] =	wrdreg s23;
	s17 =	simm.s32 $0x12E00  }
0x11: {  	s18 =	simm.s32 $0x14E00;
	s16 =	simm.s32 $0xA00;
	s23 =	simm.s32 $0x16E00  }
0x12: {  	s20 =	simm.s32 $0xA80;
	s21 =	simm.s32 $0xB00;
	[smem:$0x7FA] =	sst s16  }
0x13: {  	s22 =	simm.s32 $0xB80;
	s9 =	sshll.u32 s8, $0x6;
	[smem:$0x7FB] =	sst s20  }
0x14: {  	s10 =	sshll.u32 s8, $0xC;
	s11 =	smul.u32 $0x140, s8;
	[smem:$0x7FC] =	sst s21  }
0x15: {  	s26 =	smul.u32 $0x28000, s8;
	s16 =	simm.s32 $0x2;
	[smem:$0x7FD] =	sst s22  }
0x16: {  	s21 =	simm.s32 $0xC80;
	s22 =	simm.s32 $0xD00;
	s1 =	sadd.s32 s1, s9  }
0x17: {  	s20 =	simm.s32 $0xD80;
	s24 =	sadd.s32 s3, s9;
	[dreg:$0x7] =	wrdreg s1  }
0x18: {  	s12 =	sadd.s32 s10, s0;
	[dreg:$0x8] =	wrdreg s24;
	s25 =	sadd.s32 s4, s11  }
0x19: {  	s4 =	sadd.s32 s5, s10;
	s5 =	smul.u32 $0x5000, s8;
	s8 =	sadd.s32 $0xE00, s12  }
0x1a: {  	s3 =	sshrl.u32 s26, $0x3;
	s11 =	ssub.s32 $0x2, s7;
	[dreg:$0x9] =	wrdreg s25  }
0x1b: {  	s7 =	simm.s32 $0x2E00;
	s24 =	simm.s32 $0x580;
	[dreg:$0xa] =	wrdreg s4  }
0x1c: {  	s26 =	simm.s32 $0x680;
	[dreg:$0xb] =	wrdreg s8;
	s3 =	sadd.s32 s6, s3  }
0x1d: {  	s4 =	sadd.s32 $0xF43200, s0;
	s13 =	sshrl.u32 s11, $0x1;
	[dreg:$0x18] =	wrdreg s24  }
0x1e: {  	s25 =	simm.s32 $0x600;
	s24 =	simm.s32 $0xAE00;
	[dreg:$0x1a] =	wrdreg s26  }
0x1f: {  	s8 =	simm.s32 $0x780;
	s26 =	simm.s32 $0xEE00;
	[dreg:$0x19] =	wrdreg s25  }
0x20: {  	s9 =	sadd.s32 s6, s5;
	s10 =	sadd.s32 $0x1000, s3;
	[dreg:$0x1c] =	wrdreg s8  }
0x21: {  	s12 =	sadd.s32 $0x2000, s3;
	s14 =	sadd.s32 $0x3000, s3;
	[dreg:$0xc] =	wrdreg s9  }
0x22: {  	s1 =	ssub.s32 s11, s13;
	s15 =	sadd.s32 $0x4000, s3;
	[dreg:$0xd] =	wrdreg s10  }
0x23: {  	s5 =	simm.s32 $0x80;
	s3 =	simm.s32 $0xE00;
	[dreg:$0xe] =	wrdreg s12  }
0x24: {  	s13 =	simm.s32 $0x8E00;
	s6 =	simm.s32 $0x700;
	[dreg:$0xf] =	wrdreg s14  }
0x25: {  	s25 =	simm.s32 $0xCE00;
	s11 =	simm.s32 $0x800;
	[dreg:$0x10] =	wrdreg s15  }
0x26: {  	s8 =	simm.s32 $0x4;
	s0 =	smax.u32 s1, $0x1;
	[dreg:$0x1b] =	wrdreg s6  }
0x27: {  	s9 =	simm.s32 $0x4E00;
	[dreg:$0x1d] =	wrdreg s11;
	p1 =	sne.s32 s0, $0x1  }
.Ltmp0:
0x28: {  	s12 =	simm.s32 $0x880;
	s1 =	rddreg [dreg:$0x7];
	(pc) =	sbr.rel @!p1 .LBB2_1-.Ltmp0, $4  }
0x29: {  	s10 =	simm.s32 $0x6E00;
	s14 =	simm.s32 $0x900;
	[dreg:$0x1e] =	wrdreg s12  }
0x2a: {  	s6 =	simm.s32 $0x1;
	s15 =	simm.s32 $0x980;
	[dreg:$0x1f] =	wrdreg s14  }
0x2b: {  	s11 =	simm.s32 $0x10E00;
	[smem:$0x7F9] =	sst s15;
	s15 =	simm.s32 $0x3  }
0x2c: {  	s0 =	sadd.s32 $0xFFFFFFFF, s0;
	s14 =	simm.s32 $0x5;
	s12 =	simm.s32 $0x6  }
0x2d: {  	[tilespmem:s2], [sflag:$0x7] =	stream.linear.gather [hbm4b:s1+s2], $0x200, $0x38;
	[tilespmem:$0x18E00] =	vst v63  }
0x2e: {  	_ =	swait.ge [sflag:s31], $0x200  }
0x2f: {  	[sflag:s31] =	ssyncset.done $0x0  }
0x30: {  	s19 =	rddreg [dreg:$0x8];
	[sflag:s31] =	ssyncadd.s32 $0xFFFFFE00  }
0x31: {  	[tilespmem:s30], [sflag:$0x7] =	stream.linear.gather [hbm4b:s19+s2], $0x200, $0x38;
	[tilespmem:$0x18E00] =	vst v63  }
0x32: {  	_ =	swait.ge [sflag:s31], $0x200  }
0x33: {  	[sflag:s31] =	ssyncset.done $0x0  }
0x34: {  	s19 =	rddreg [dreg:$0x9];
	[sflag:s31] =	ssyncadd.s32 $0xFFFFFE00  }
0x35: {  	[tilespmem:s29], [sflag:$0x7] =	stream.linear.gather [hbm4b:s19+s2], $0xA00, $0x38;
	[tilespmem:$0x18E00] =	vst v63  }
0x36: {  	_ =	swait.ge [sflag:s31], $0xA00  }
0x37: {  	[sflag:s31] =	ssyncset.done $0x0  }
0x38: {  	[sflag:s31] =	ssyncadd.s32 $0xFFFFF600  }
0x39: {  	[tilespmem:s3], [sflag:$0x1] =	stream.indirect.gather [hbm4b:s28+s5], $0x40, s2, s5, $0xb8;
	[tilespmem:$0x18E00] =	vst v63  }
0x3a: {  	_ = 	snop  }
0x3b: {  	[tilespmem:s7], [sflag:$0x1] =	stream.indirect.gather [hbm4b:s28+s5], $0x40, s5, s5, $0xb8;
	[tilespmem:$0x18E00] =	vst v63  }
0x3c: {  	s1 =	rddreg [dreg:$0x11]  }
0x3d: {  	[tilespmem:s9], [sflag:$0x1] =	stream.indirect.gather [hbm4b:s28+s5], $0x40, s1, s5, $0xb8;
	[tilespmem:$0x18E00] =	vst v63  }
0x3e: {  	s19 =	smov.u32 s0;
	s0 =	rddreg [dreg:$0x12]  }
0x3f: {  	[tilespmem:s10], [sflag:$0x1] =	stream.indirect.gather [hbm4b:s28+s5], $0x40, s0, s5, $0xb8;
	[tilespmem:$0x18E00] =	vst v63  }
0x40: {  	_ = 	snop  }
0x41: {  	[tilespmem:s13], [sflag:$0x2] =	stream.indirect.gather [hbm4b:s4+s5], $0x40, s30, s5, $0xb8;
	[tilespmem:$0x18E00] =	vst v63  }
0x42: {  	s0 =	rddreg [dreg:$0x13]  }
0x43: {  	[tilespmem:s24], [sflag:$0x2] =	stream.indirect.gather [hbm4b:s4+s5], $0x40, s0, s5, $0xb8;
	[tilespmem:$0x18E00] =	vst v63  }
0x44: {  	s1 =	rddreg [dreg:$0x14]  }
0x45: {  	[tilespmem:s25], [sflag:$0x2] =	stream.indirect.gather [hbm4b:s4+s5], $0x40, s1, s5, $0xb8;
	[tilespmem:$0x18E00] =	vst v63  }
0x46: {  	s0 =	rddreg [dreg:$0x15]  }
0x47: {  	[tilespmem:s26], [sflag:$0x2] =	stream.indirect.gather [hbm4b:s4+s5], $0x40, s0, s5, $0xb8;
	[tilespmem:$0x18E00] =	vst v63  }
0x48: {  	_ =	swait.ge [sflag:s6], $0x2000  }
0x49: {  	[sflag:s6] =	ssyncset.done $0x0  }
0x4a: {  	[sflag:s6] =	ssyncadd.s32 $0xFFFFE000  }
0x4b: {  	_ =	swait.ge [sflag:s6], $0x2000  }
0x4c: {  	[sflag:s6] =	ssyncset.done $0x0  }
0x4d: {  	[sflag:s6] =	ssyncadd.s32 $0xFFFFE000  }
0x4e: {  	_ =	swait.ge [sflag:s6], $0x2000  }
0x4f: {  	[sflag:s6] =	ssyncset.done $0x0  }
0x50: {  	[sflag:s6] =	ssyncadd.s32 $0xFFFFE000  }
0x51: {  	_ =	swait.ge [sflag:s6], $0x2000  }
0x52: {  	[sflag:s6] =	ssyncset.done $0x0  }
0x53: {  	s1 =	rddreg [dreg:$0xa];
	[sflag:s6] =	ssyncadd.s32 $0xFFFFE000  }
0x54: {  	[hbm4b:s1+s2] =	stream.linear.scatter [tilespmem:s3], [sflag:$0x4], $0x8000, $0x38;
	[tilespmem:$0x18E00] =	vst v63  }
0x55: {  	_ = 	snop  }
0x56: {  	[tilespmem:s11], [sflag:$0x3] =	stream.indirect.gather [hbm4b:s4+s5], $0x40, s29, s5, $0xb8;
	[tilespmem:$0x18E00] =	vst v63  }
0x57: {  	s0 =	rddreg [dreg:$0x16]  }
0x58: {  	[tilespmem:s17], [sflag:$0x3] =	stream.indirect.gather [hbm4b:s4+s5], $0x40, s0, s5, $0xb8;
	[tilespmem:$0x18E00] =	vst v63  }
0x59: {  	s1 =	rddreg [dreg:$0x17]  }
0x5a: {  	[tilespmem:s18], [sflag:$0x3] =	stream.indirect.gather [hbm4b:s4+s5], $0x40, s1, s5, $0xb8;
	[tilespmem:$0x18E00] =	vst v63  }
0x5b: {  	s0 =	rddreg [dreg:$0x18]  }
0x5c: {  	[tilespmem:s23], [sflag:$0x3] =	stream.indirect.gather [hbm4b:s4+s5], $0x40, s0, s5, $0xb8;
	[tilespmem:$0x18E00] =	vst v63  }
0x5d: {  	_ =	swait.ge [sflag:s16], $0x2000  }
0x5e: {  	[sflag:s16] =	ssyncset.done $0x0  }
0x5f: {  	[sflag:s16] =	ssyncadd.s32 $0xFFFFE000  }
0x60: {  	_ =	swait.ge [sflag:s16], $0x2000  }
0x61: {  	[sflag:s16] =	ssyncset.done $0x0  }
0x62: {  	[sflag:s16] =	ssyncadd.s32 $0xFFFFE000  }
0x63: {  	_ =	swait.ge [sflag:s16], $0x2000  }
0x64: {  	[sflag:s16] =	ssyncset.done $0x0  }
0x65: {  	[sflag:s16] =	ssyncadd.s32 $0xFFFFE000  }
0x66: {  	_ =	swait.ge [sflag:s16], $0x2000  }
0x67: {  	[sflag:s16] =	ssyncset.done $0x0  }
0x68: {  	s1 =	rddreg [dreg:$0xb];
	[sflag:s16] =	ssyncadd.s32 $0xFFFFE000  }
0x69: {  	[hbm4b:s1+s2] =	stream.linear.scatter [tilespmem:s13], [sflag:$0x5], $0x8000, $0x38;
	[tilespmem:$0x18E00] =	vst v63  }
0x6a: {  	_ =	swait.ge [sflag:s8], $0x8000  }
0x6b: {  	[sflag:s8] =	ssyncset.done $0x0  }
0x6c: {  	s0 =	rddreg [dreg:$0x19];
	[sflag:s8] =	ssyncadd.s32 $0xFFFF8000  }
0x6d: {  	[tilespmem:s3], [sflag:$0x1] =	stream.indirect.gather [hbm4b:s4+s5], $0x40, s0, s5, $0xb8;
	[tilespmem:$0x18E00] =	vst v63  }
0x6e: {  	s1 =	rddreg [dreg:$0x1a]  }
0x6f: {  	[tilespmem:s7], [sflag:$0x1] =	stream.indirect.gather [hbm4b:s4+s5], $0x40, s1, s5, $0xb8;
	[tilespmem:$0x18E00] =	vst v63  }
0x70: {  	s0 =	rddreg [dreg:$0x1b]  }
0x71: {  	[tilespmem:s9], [sflag:$0x1] =	stream.indirect.gather [hbm4b:s4+s5], $0x40, s0, s5, $0xb8;
	[tilespmem:$0x18E00] =	vst v63  }
0x72: {  	s1 =	rddreg [dreg:$0x1c]  }
0x73: {  	[tilespmem:s10], [sflag:$0x1] =	stream.indirect.gather [hbm4b:s4+s5], $0x40, s1, s5, $0xb8;
	[tilespmem:$0x18E00] =	vst v63  }
0x74: {  	_ =	swait.ge [sflag:s15], $0x2000  }
0x75: {  	[sflag:s15] =	ssyncset.done $0x0  }
0x76: {  	[sflag:s15] =	ssyncadd.s32 $0xFFFFE000  }
0x77: {  	_ =	swait.ge [sflag:s15], $0x2000  }
0x78: {  	[sflag:s15] =	ssyncset.done $0x0  }
0x79: {  	[sflag:s15] =	ssyncadd.s32 $0xFFFFE000  }
0x7a: {  	_ =	swait.ge [sflag:s15], $0x2000  }
0x7b: {  	[sflag:s15] =	ssyncset.done $0x0  }
0x7c: {  	[sflag:s15] =	ssyncadd.s32 $0xFFFFE000  }
0x7d: {  	_ =	swait.ge [sflag:s15], $0x2000  }
0x7e: {  	[sflag:s15] =	ssyncset.done $0x0  }
0x7f: {  	s1 =	rddreg [dreg:$0xc];
	[sflag:s15] =	ssyncadd.s32 $0xFFFFE000  }
0x80: {  	[hbm4b:s1+s2] =	stream.linear.scatter [tilespmem:s11], [sflag:$0x6], $0x8000, $0x38;
	[tilespmem:$0x18E00] =	vst v63  }
0x81: {  	_ =	swait.ge [sflag:s14], $0x8000  }
0x82: {  	s0 =	rddreg [dreg:$0x1d];
	[sflag:s14] =	ssyncset.done $0x0  }
0x83: {  	s1 =	rddreg [dreg:$0x1e];
	[sflag:s14] =	ssyncadd.s32 $0xFFFF8000  }
0x84: {  	[tilespmem:s13], [sflag:$0x2] =	stream.indirect.gather [hbm4b:s4+s5], $0x40, s0, s5, $0xb8;
	[tilespmem:$0x18E00] =	vst v63  }
0x85: {  	s0 =	rddreg [dreg:$0x1f]  }
0x86: {  	[tilespmem:s24], [sflag:$0x2] =	stream.indirect.gather [hbm4b:s4+s5], $0x40, s1, s5, $0xb8;
	[tilespmem:$0x18E00] =	vst v63  }
0x87: {  	s1 =	sld [smem:$0x7F9]  }
0x88: {  	[tilespmem:s25], [sflag:$0x2] =	stream.indirect.gather [hbm4b:s4+s5], $0x40, s0, s5, $0xb8;
	[tilespmem:$0x18E00] =	vst v63  }
0x89: {  	_ = 	snop  }
0x8a: {  	[tilespmem:s26], [sflag:$0x2] =	stream.indirect.gather [hbm4b:s4+s5], $0x40, s1, s5, $0xb8;
	[tilespmem:$0x18E00] =	vst v63  }
0x8b: {  	_ =	swait.ge [sflag:s6], $0x2000  }
0x8c: {  	[sflag:s6] =	ssyncset.done $0x0  }
0x8d: {  	[sflag:s6] =	ssyncadd.s32 $0xFFFFE000  }
0x8e: {  	_ =	swait.ge [sflag:s6], $0x2000  }
0x8f: {  	[sflag:s6] =	ssyncset.done $0x0  }
0x90: {  	[sflag:s6] =	ssyncadd.s32 $0xFFFFE000  }
0x91: {  	_ =	swait.ge [sflag:s6], $0x2000  }
0x92: {  	[sflag:s6] =	ssyncset.done $0x0  }
0x93: {  	[sflag:s6] =	ssyncadd.s32 $0xFFFFE000  }
0x94: {  	_ =	swait.ge [sflag:s6], $0x2000  }
0x95: {  	[sflag:s6] =	ssyncset.done $0x0  }
0x96: {  	s1 =	rddreg [dreg:$0xd];
	[sflag:s6] =	ssyncadd.s32 $0xFFFFE000  }
0x97: {  	[hbm4b:s1+s2] =	stream.linear.scatter [tilespmem:s3], [sflag:$0x4], $0x8000, $0x38;
	[tilespmem:$0x18E00] =	vst v63  }
0x98: {  	_ =	swait.ge [sflag:s12], $0x8000  }
0x99: {  	s0 =	sld [smem:$0x7FA]  }
0x9a: {  	[sflag:s12] =	ssyncset.done $0x0  }
0x9b: {  	s1 =	sld [smem:$0x7FB];
	[sflag:s12] =	ssyncadd.s32 $0xFFFF8000  }
0x9c: {  	[tilespmem:s11], [sflag:$0x3] =	stream.indirect.gather [hbm4b:s4+s5], $0x40, s0, s5, $0xb8;
	[tilespmem:$0x18E00] =	vst v63  }
0x9d: {  	s0 =	sld [smem:$0x7FC]  }
0x9e: {  	[tilespmem:s17], [sflag:$0x3] =	stream.indirect.gather [hbm4b:s4+s5], $0x40, s1, s5, $0xb8;
	[tilespmem:$0x18E00] =	vst v63  }
0x9f: {  	s1 =	sld [smem:$0x7FD]  }
0xa0: {  	[tilespmem:s18], [sflag:$0x3] =	stream.indirect.gather [hbm4b:s4+s5], $0x40, s0, s5, $0xb8;
	[tilespmem:$0x18E00] =	vst v63  }
0xa1: {  	_ = 	snop  }
0xa2: {  	[tilespmem:s23], [sflag:$0x3] =	stream.indirect.gather [hbm4b:s4+s5], $0x40, s1, s5, $0xb8;
	[tilespmem:$0x18E00] =	vst v63  }
0xa3: {  	_ =	swait.ge [sflag:s16], $0x2000  }
0xa4: {  	[sflag:s16] =	ssyncset.done $0x0  }
0xa5: {  	[sflag:s16] =	ssyncadd.s32 $0xFFFFE000  }
0xa6: {  	_ =	swait.ge [sflag:s16], $0x2000  }
0xa7: {  	[sflag:s16] =	ssyncset.done $0x0  }
0xa8: {  	[sflag:s16] =	ssyncadd.s32 $0xFFFFE000  }
0xa9: {  	_ =	swait.ge [sflag:s16], $0x2000  }
0xaa: {  	[sflag:s16] =	ssyncset.done $0x0  }
0xab: {  	[sflag:s16] =	ssyncadd.s32 $0xFFFFE000  }
0xac: {  	_ =	swait.ge [sflag:s16], $0x2000  }
0xad: {  	[sflag:s16] =	ssyncset.done $0x0  }
0xae: {  	s1 =	rddreg [dreg:$0xe];
	[sflag:s16] =	ssyncadd.s32 $0xFFFFE000  }
0xaf: {  	[hbm4b:s1+s2] =	stream.linear.scatter [tilespmem:s13], [sflag:$0x5], $0x8000, $0x38;
	[tilespmem:$0x18E00] =	vst v63  }
0xb0: {  	_ =	swait.ge [sflag:s8], $0x8000  }
0xb1: {  	[sflag:s8] =	ssyncset.done $0x0  }
0xb2: {  	s1 =	simm.s32 $0xC00;
	[sflag:s8] =	ssyncadd.s32 $0xFFFF8000  }
0xb3: {  	[tilespmem:s3], [sflag:$0x1] =	stream.indirect.gather [hbm4b:s4+s5], $0x40, s1, s5, $0xb8;
	[tilespmem:$0x18E00] =	vst v63  }
0xb4: {  	_ = 	snop  }
0xb5: {  	[tilespmem:s7], [sflag:$0x1] =	stream.indirect.gather [hbm4b:s4+s5], $0x40, s21, s5, $0xb8;
	[tilespmem:$0x18E00] =	vst v63  }
0xb6: {  	_ = 	snop  }
0xb7: {  	[tilespmem:s9], [sflag:$0x1] =	stream.indirect.gather [hbm4b:s4+s5], $0x40, s22, s5, $0xb8;
	[tilespmem:$0x18E00] =	vst v63  }
0xb8: {  	_ = 	snop  }
0xb9: {  	[tilespmem:s10], [sflag:$0x1] =	stream.indirect.gather [hbm4b:s4+s5], $0x40, s20, s5, $0xb8;
	[tilespmem:$0x18E00] =	vst v63  }
0xba: {  	_ =	swait.ge [sflag:s15], $0x2000  }
0xbb: {  	[sflag:s15] =	ssyncset.done $0x0  }
0xbc: {  	[sflag:s15] =	ssyncadd.s32 $0xFFFFE000  }
0xbd: {  	_ =	swait.ge [sflag:s15], $0x2000  }
0xbe: {  	[sflag:s15] =	ssyncset.done $0x0  }
0xbf: {  	[sflag:s15] =	ssyncadd.s32 $0xFFFFE000  }
0xc0: {  	_ =	swait.ge [sflag:s15], $0x2000  }
0xc1: {  	[sflag:s15] =	ssyncset.done $0x0  }
0xc2: {  	[sflag:s15] =	ssyncadd.s32 $0xFFFFE000  }
0xc3: {  	_ =	swait.ge [sflag:s15], $0x2000  }
0xc4: {  	[sflag:s15] =	ssyncset.done $0x0  }
0xc5: {  	s1 =	rddreg [dreg:$0xf];
	[sflag:s15] =	ssyncadd.s32 $0xFFFFE000  }
0xc6: {  	[hbm4b:s1+s2] =	stream.linear.scatter [tilespmem:s11], [sflag:$0x6], $0x8000, $0x38;
	[tilespmem:$0x18E00] =	vst v63  }
0xc7: {  	_ =	swait.ge [sflag:s6], $0x2000  }
0xc8: {  	[sflag:s6] =	ssyncset.done $0x0  }
0xc9: {  	[sflag:s6] =	ssyncadd.s32 $0xFFFFE000  }
0xca: {  	_ =	swait.ge [sflag:s6], $0x2000  }
0xcb: {  	[sflag:s6] =	ssyncset.done $0x0  }
0xcc: {  	[sflag:s6] =	ssyncadd.s32 $0xFFFFE000  }
0xcd: {  	_ =	swait.ge [sflag:s6], $0x2000  }
0xce: {  	[sflag:s6] =	ssyncset.done $0x0  }
0xcf: {  	[sflag:s6] =	ssyncadd.s32 $0xFFFFE000  }
0xd0: {  	_ =	swait.ge [sflag:s6], $0x2000  }
0xd1: {  	[sflag:s6] =	ssyncset.done $0x0  }
0xd2: {  	s1 =	rddreg [dreg:$0x10];
	[sflag:s6] =	ssyncadd.s32 $0xFFFFE000  }
0xd3: {  	[hbm4b:s1+s2] =	stream.linear.scatter [tilespmem:s3], [sflag:$0x4], $0x8000, $0x38;
	[tilespmem:$0x18E00] =	vst v63  }
0xd4: {  	_ =	swait.ge [sflag:s14], $0x8000  }
0xd5: {  	[sflag:s14] =	ssyncset.done $0x0  }
0xd6: {  	p1 =	sne.s32 s19, $0x1;
	[sflag:s14] =	ssyncadd.s32 $0xFFFF8000  }
.Ltmp1:
0xd7: {  	_ =	swait.ge [sflag:s12], $0x8000;
	(pc) =	sbr.rel @!p1 .LBB2_3-.Ltmp1, $4  }
0xd8: {  	[sflag:s12] =	ssyncset.done $0x0  }
0xd9: {  	[sflag:s12] =	ssyncadd.s32 $0xFFFF8000  }
0xda: {  	p0 =	por $0x1, $0x1;
	_ =	swait.ge [sflag:s8], $0x8000  }
0xdb: {  	s0 =	sadd.s32 $0xFFFFFFFF, s19;
	s1 =	rddreg [dreg:$0x7];
	[sflag:s8] =	ssyncset.done $0x0  }
.LBB2_4:
0xdc: {  	[sflag:s8] =	ssyncadd.s32 $0xFFFF8000  }
0xdd: {  	[tilespmem:s2], [sflag:$0x7] =	stream.linear.gather [hbm4b:s1+s2], $0x200, $0x38;
	[tilespmem:$0x18E00] =	vst v63  }
0xde: {  	_ =	swait.ge [sflag:s31], $0x200  }
0xdf: {  	[sflag:s31] =	ssyncset.done $0x0  }
0xe0: {  	s19 =	rddreg [dreg:$0x8];
	[sflag:s31] =	ssyncadd.s32 $0xFFFFFE00  }
0xe1: {  	[tilespmem:s30], [sflag:$0x7] =	stream.linear.gather [hbm4b:s19+s2], $0x200, $0x38;
	[tilespmem:$0x18E00] =	vst v63  }
0xe2: {  	_ =	swait.ge [sflag:s31], $0x200  }
0xe3: {  	[sflag:s31] =	ssyncset.done $0x0  }
0xe4: {  	s19 =	rddreg [dreg:$0x9];
	[sflag:s31] =	ssyncadd.s32 $0xFFFFFE00  }
0xe5: {  	[tilespmem:s29], [sflag:$0x7] =	stream.linear.gather [hbm4b:s19+s2], $0xA00, $0x38;
	[tilespmem:$0x18E00] =	vst v63  }
0xe6: {  	_ =	swait.ge [sflag:s31], $0xA00  }
0xe7: {  	[sflag:s31] =	ssyncset.done $0x0  }
0xe8: {  	[sflag:s31] =	ssyncadd.s32 $0xFFFFF600  }
0xe9: {  	[tilespmem:s3], [sflag:$0x1] =	stream.indirect.gather [hbm4b:s28+s5], $0x40, s2, s5, $0xb8;
	[tilespmem:$0x18E00] =	vst v63  }
0xea: {  	_ = 	snop  }
0xeb: {  	[tilespmem:s7], [sflag:$0x1] =	stream.indirect.gather [hbm4b:s28+s5], $0x40, s5, s5, $0xb8;
	[tilespmem:$0x18E00] =	vst v63  }
0xec: {  	s1 =	rddreg [dreg:$0x11]  }
0xed: {  	[tilespmem:s9], [sflag:$0x1] =	stream.indirect.gather [hbm4b:s28+s5], $0x40, s1, s5, $0xb8;
	[tilespmem:$0x18E00] =	vst v63  }
0xee: {  	s19 =	rddreg [dreg:$0x12]  }
0xef: {  	[tilespmem:s10], [sflag:$0x1] =	stream.indirect.gather [hbm4b:s28+s5], $0x40, s19, s5, $0xb8;
	[tilespmem:$0x18E00] =	vst v63  }
0xf0: {  	_ = 	snop  }
0xf1: {  	[tilespmem:s13], [sflag:$0x2] =	stream.indirect.gather [hbm4b:s4+s5], $0x40, s30, s5, $0xb8;
	[tilespmem:$0x18E00] =	vst v63  }
0xf2: {  	s1 =	rddreg [dreg:$0x13]  }
0xf3: {  	[tilespmem:s24], [sflag:$0x2] =	stream.indirect.gather [hbm4b:s4+s5], $0x40, s1, s5, $0xb8;
	[tilespmem:$0x18E00] =	vst v63  }
0xf4: {  	s19 =	rddreg [dreg:$0x14]  }
0xf5: {  	[tilespmem:s25], [sflag:$0x2] =	stream.indirect.gather [hbm4b:s4+s5], $0x40, s19, s5, $0xb8;
	[tilespmem:$0x18E00] =	vst v63  }
0xf6: {  	s1 =	rddreg [dreg:$0x15]  }
0xf7: {  	[tilespmem:s26], [sflag:$0x2] =	stream.indirect.gather [hbm4b:s4+s5], $0x40, s1, s5, $0xb8;
	[tilespmem:$0x18E00] =	vst v63  }
0xf8: {  	_ =	swait.ge [sflag:s6], $0x2000  }
0xf9: {  	[sflag:s6] =	ssyncset.done $0x0  }
0xfa: {  	[sflag:s6] =	ssyncadd.s32 $0xFFFFE000  }
0xfb: {  	_ =	swait.ge [sflag:s6], $0x2000  }
0xfc: {  	[sflag:s6] =	ssyncset.done $0x0  }
0xfd: {  	[sflag:s6] =	ssyncadd.s32 $0xFFFFE000  }
0xfe: {  	_ =	swait.ge [sflag:s6], $0x2000  }
0xff: {  	[sflag:s6] =	ssyncset.done $0x0  }
0x100: {  	[sflag:s6] =	ssyncadd.s32 $0xFFFFE000  }
0x101: {  	_ =	swait.ge [sflag:s6], $0x2000  }
0x102: {  	[sflag:s6] =	ssyncset.done $0x0  }
0x103: {  	s19 =	rddreg [dreg:$0xa];
	[sflag:s6] =	ssyncadd.s32 $0xFFFFE000  }
0x104: {  	[hbm4b:s19+s2] =	stream.linear.scatter [tilespmem:s3], [sflag:$0x4], $0x8000, $0x38;
	[tilespmem:$0x18E00] =	vst v63  }
0x105: {  	_ = 	snop  }
0x106: {  	[tilespmem:s11], [sflag:$0x3] =	stream.indirect.gather [hbm4b:s4+s5], $0x40, s29, s5, $0xb8;
	[tilespmem:$0x18E00] =	vst v63  }
0x107: {  	s1 =	rddreg [dreg:$0x16]  }
0x108: {  	[tilespmem:s17], [sflag:$0x3] =	stream.indirect.gather [hbm4b:s4+s5], $0x40, s1, s5, $0xb8;
	[tilespmem:$0x18E00] =	vst v63  }
0x109: {  	s19 =	rddreg [dreg:$0x17]  }
0x10a: {  	[tilespmem:s18], [sflag:$0x3] =	stream.indirect.gather [hbm4b:s4+s5], $0x40, s19, s5, $0xb8;
	[tilespmem:$0x18E00] =	vst v63  }
0x10b: {  	s1 =	rddreg [dreg:$0x18]  }
0x10c: {  	[tilespmem:s23], [sflag:$0x3] =	stream.indirect.gather [hbm4b:s4+s5], $0x40, s1, s5, $0xb8;
	[tilespmem:$0x18E00] =	vst v63  }
0x10d: {  	_ =	swait.ge [sflag:s16], $0x2000  }
0x10e: {  	[sflag:s16] =	ssyncset.done $0x0  }
0x10f: {  	[sflag:s16] =	ssyncadd.s32 $0xFFFFE000  }
0x110: {  	_ =	swait.ge [sflag:s16], $0x2000  }
0x111: {  	[sflag:s16] =	ssyncset.done $0x0  }
0x112: {  	[sflag:s16] =	ssyncadd.s32 $0xFFFFE000  }
0x113: {  	_ =	swait.ge [sflag:s16], $0x2000  }
0x114: {  	[sflag:s16] =	ssyncset.done $0x0  }
0x115: {  	[sflag:s16] =	ssyncadd.s32 $0xFFFFE000  }
0x116: {  	_ =	swait.ge [sflag:s16], $0x2000  }
0x117: {  	[sflag:s16] =	ssyncset.done $0x0  }
0x118: {  	s19 =	rddreg [dreg:$0xb];
	[sflag:s16] =	ssyncadd.s32 $0xFFFFE000  }
0x119: {  	[hbm4b:s19+s2] =	stream.linear.scatter [tilespmem:s13], [sflag:$0x5], $0x8000, $0x38;
	[tilespmem:$0x18E00] =	vst v63  }
0x11a: {  	_ =	swait.ge [sflag:s8], $0x8000  }
0x11b: {  	[sflag:s8] =	ssyncset.done $0x0  }
0x11c: {  	s1 =	rddreg [dreg:$0x19];
	[sflag:s8] =	ssyncadd.s32 $0xFFFF8000  }
0x11d: {  	[tilespmem:s3], [sflag:$0x1] =	stream.indirect.gather [hbm4b:s4+s5], $0x40, s1, s5, $0xb8;
	[tilespmem:$0x18E00] =	vst v63  }
0x11e: {  	s19 =	rddreg [dreg:$0x1a]  }
0x11f: {  	[tilespmem:s7], [sflag:$0x1] =	stream.indirect.gather [hbm4b:s4+s5], $0x40, s19, s5, $0xb8;
	[tilespmem:$0x18E00] =	vst v63  }
0x120: {  	s1 =	rddreg [dreg:$0x1b]  }
0x121: {  	[tilespmem:s9], [sflag:$0x1] =	stream.indirect.gather [hbm4b:s4+s5], $0x40, s1, s5, $0xb8;
	[tilespmem:$0x18E00] =	vst v63  }
0x122: {  	s19 =	rddreg [dreg:$0x1c]  }
0x123: {  	[tilespmem:s10], [sflag:$0x1] =	stream.indirect.gather [hbm4b:s4+s5], $0x40, s19, s5, $0xb8;
	[tilespmem:$0x18E00] =	vst v63  }
0x124: {  	_ =	swait.ge [sflag:s15], $0x2000  }
0x125: {  	[sflag:s15] =	ssyncset.done $0x0  }
0x126: {  	[sflag:s15] =	ssyncadd.s32 $0xFFFFE000  }
0x127: {  	_ =	swait.ge [sflag:s15], $0x2000  }
0x128: {  	[sflag:s15] =	ssyncset.done $0x0  }
0x129: {  	[sflag:s15] =	ssyncadd.s32 $0xFFFFE000  }
0x12a: {  	_ =	swait.ge [sflag:s15], $0x2000  }
0x12b: {  	[sflag:s15] =	ssyncset.done $0x0  }
0x12c: {  	[sflag:s15] =	ssyncadd.s32 $0xFFFFE000  }
0x12d: {  	_ =	swait.ge [sflag:s15], $0x2000  }
0x12e: {  	[sflag:s15] =	ssyncset.done $0x0  }
0x12f: {  	s19 =	rddreg [dreg:$0xc];
	[sflag:s15] =	ssyncadd.s32 $0xFFFFE000  }
0x130: {  	[hbm4b:s19+s2] =	stream.linear.scatter [tilespmem:s11], [sflag:$0x6], $0x8000, $0x38;
	[tilespmem:$0x18E00] =	vst v63  }
0x131: {  	_ =	swait.ge [sflag:s14], $0x8000  }
0x132: {  	s1 =	rddreg [dreg:$0x1d];
	[sflag:s14] =	ssyncset.done $0x0  }
0x133: {  	s19 =	rddreg [dreg:$0x1e];
	[sflag:s14] =	ssyncadd.s32 $0xFFFF8000  }
0x134: {  	[tilespmem:s13], [sflag:$0x2] =	stream.indirect.gather [hbm4b:s4+s5], $0x40, s1, s5, $0xb8;
	[tilespmem:$0x18E00] =	vst v63  }
0x135: {  	s1 =	rddreg [dreg:$0x1f]  }
0x136: {  	[tilespmem:s24], [sflag:$0x2] =	stream.indirect.gather [hbm4b:s4+s5], $0x40, s19, s5, $0xb8;
	[tilespmem:$0x18E00] =	vst v63  }
0x137: {  	s19 =	sld [smem:$0x7F9]  }
0x138: {  	[tilespmem:s25], [sflag:$0x2] =	stream.indirect.gather [hbm4b:s4+s5], $0x40, s1, s5, $0xb8;
	[tilespmem:$0x18E00] =	vst v63  }
0x139: {  	_ = 	snop  }
0x13a: {  	[tilespmem:s26], [sflag:$0x2] =	stream.indirect.gather [hbm4b:s4+s5], $0x40, s19, s5, $0xb8;
	[tilespmem:$0x18E00] =	vst v63  }
0x13b: {  	_ =	swait.ge [sflag:s6], $0x2000  }
0x13c: {  	[sflag:s6] =	ssyncset.done $0x0  }
0x13d: {  	[sflag:s6] =	ssyncadd.s32 $0xFFFFE000  }
0x13e: {  	_ =	swait.ge [sflag:s6], $0x2000  }
0x13f: {  	[sflag:s6] =	ssyncset.done $0x0  }
0x140: {  	[sflag:s6] =	ssyncadd.s32 $0xFFFFE000  }
0x141: {  	_ =	swait.ge [sflag:s6], $0x2000  }
0x142: {  	[sflag:s6] =	ssyncset.done $0x0  }
0x143: {  	[sflag:s6] =	ssyncadd.s32 $0xFFFFE000  }
0x144: {  	_ =	swait.ge [sflag:s6], $0x2000  }
0x145: {  	[sflag:s6] =	ssyncset.done $0x0  }
0x146: {  	s19 =	rddreg [dreg:$0xd];
	[sflag:s6] =	ssyncadd.s32 $0xFFFFE000  }
0x147: {  	[hbm4b:s19+s2] =	stream.linear.scatter [tilespmem:s3], [sflag:$0x4], $0x8000, $0x38;
	[tilespmem:$0x18E00] =	vst v63  }
0x148: {  	_ =	swait.ge [sflag:s12], $0x8000  }
0x149: {  	s1 =	sld [smem:$0x7FA]  }
0x14a: {  	[sflag:s12] =	ssyncset.done $0x0  }
0x14b: {  	s19 =	sld [smem:$0x7FB];
	[sflag:s12] =	ssyncadd.s32 $0xFFFF8000  }
0x14c: {  	[tilespmem:s11], [sflag:$0x3] =	stream.indirect.gather [hbm4b:s4+s5], $0x40, s1, s5, $0xb8;
	[tilespmem:$0x18E00] =	vst v63  }
0x14d: {  	s1 =	sld [smem:$0x7FC]  }
0x14e: {  	[tilespmem:s17], [sflag:$0x3] =	stream.indirect.gather [hbm4b:s4+s5], $0x40, s19, s5, $0xb8;
	[tilespmem:$0x18E00] =	vst v63  }
0x14f: {  	s19 =	sld [smem:$0x7FD]  }
0x150: {  	[tilespmem:s18], [sflag:$0x3] =	stream.indirect.gather [hbm4b:s4+s5], $0x40, s1, s5, $0xb8;
	[tilespmem:$0x18E00] =	vst v63  }
0x151: {  	_ = 	snop  }
0x152: {  	[tilespmem:s23], [sflag:$0x3] =	stream.indirect.gather [hbm4b:s4+s5], $0x40, s19, s5, $0xb8;
	[tilespmem:$0x18E00] =	vst v63  }
0x153: {  	_ =	swait.ge [sflag:s16], $0x2000  }
0x154: {  	[sflag:s16] =	ssyncset.done $0x0  }
0x155: {  	[sflag:s16] =	ssyncadd.s32 $0xFFFFE000  }
0x156: {  	_ =	swait.ge [sflag:s16], $0x2000  }
0x157: {  	[sflag:s16] =	ssyncset.done $0x0  }
0x158: {  	[sflag:s16] =	ssyncadd.s32 $0xFFFFE000  }
0x159: {  	_ =	swait.ge [sflag:s16], $0x2000  }
0x15a: {  	[sflag:s16] =	ssyncset.done $0x0  }
0x15b: {  	[sflag:s16] =	ssyncadd.s32 $0xFFFFE000  }
0x15c: {  	_ =	swait.ge [sflag:s16], $0x2000  }
0x15d: {  	[sflag:s16] =	ssyncset.done $0x0  }
0x15e: {  	s19 =	rddreg [dreg:$0xe];
	[sflag:s16] =	ssyncadd.s32 $0xFFFFE000  }
0x15f: {  	[hbm4b:s19+s2] =	stream.linear.scatter [tilespmem:s13], [sflag:$0x5], $0x8000, $0x38;
	[tilespmem:$0x18E00] =	vst v63  }
0x160: {  	_ =	swait.ge [sflag:s8], $0x8000  }
0x161: {  	[sflag:s8] =	ssyncset.done $0x0  }
0x162: {  	s19 =	simm.s32 $0xC00;
	[sflag:s8] =	ssyncadd.s32 $0xFFFF8000  }
0x163: {  	[tilespmem:s3], [sflag:$0x1] =	stream.indirect.gather [hbm4b:s4+s5], $0x40, s19, s5, $0xb8;
	[tilespmem:$0x18E00] =	vst v63  }
0x164: {  	_ = 	snop  }
0x165: {  	[tilespmem:s7], [sflag:$0x1] =	stream.indirect.gather [hbm4b:s4+s5], $0x40, s21, s5, $0xb8;
	[tilespmem:$0x18E00] =	vst v63  }
0x166: {  	_ = 	snop  }
0x167: {  	[tilespmem:s9], [sflag:$0x1] =	stream.indirect.gather [hbm4b:s4+s5], $0x40, s22, s5, $0xb8;
	[tilespmem:$0x18E00] =	vst v63  }
0x168: {  	_ = 	snop  }
0x169: {  	[tilespmem:s10], [sflag:$0x1] =	stream.indirect.gather [hbm4b:s4+s5], $0x40, s20, s5, $0xb8;
	[tilespmem:$0x18E00] =	vst v63  }
0x16a: {  	_ =	swait.ge [sflag:s15], $0x2000  }
0x16b: {  	[sflag:s15] =	ssyncset.done $0x0  }
0x16c: {  	[sflag:s15] =	ssyncadd.s32 $0xFFFFE000  }
0x16d: {  	_ =	swait.ge [sflag:s15], $0x2000  }
0x16e: {  	[sflag:s15] =	ssyncset.done $0x0  }
0x16f: {  	[sflag:s15] =	ssyncadd.s32 $0xFFFFE000  }
0x170: {  	_ =	swait.ge [sflag:s15], $0x2000  }
0x171: {  	[sflag:s15] =	ssyncset.done $0x0  }
0x172: {  	[sflag:s15] =	ssyncadd.s32 $0xFFFFE000  }
0x173: {  	_ =	swait.ge [sflag:s15], $0x2000  }
0x174: {  	[sflag:s15] =	ssyncset.done $0x0  }
0x175: {  	s19 =	rddreg [dreg:$0xf];
	[sflag:s15] =	ssyncadd.s32 $0xFFFFE000  }
0x176: {  	[hbm4b:s19+s2] =	stream.linear.scatter [tilespmem:s11], [sflag:$0x6], $0x8000, $0x38;
	[tilespmem:$0x18E00] =	vst v63  }
0x177: {  	_ =	swait.ge [sflag:s6], $0x2000  }
0x178: {  	[sflag:s6] =	ssyncset.done $0x0  }
0x179: {  	[sflag:s6] =	ssyncadd.s32 $0xFFFFE000  }
0x17a: {  	_ =	swait.ge [sflag:s6], $0x2000  }
0x17b: {  	[sflag:s6] =	ssyncset.done $0x0  }
0x17c: {  	[sflag:s6] =	ssyncadd.s32 $0xFFFFE000  }
0x17d: {  	_ =	swait.ge [sflag:s6], $0x2000  }
0x17e: {  	[sflag:s6] =	ssyncset.done $0x0  }
0x17f: {  	[sflag:s6] =	ssyncadd.s32 $0xFFFFE000  }
0x180: {  	_ =	swait.ge [sflag:s6], $0x2000  }
0x181: {  	[sflag:s6] =	ssyncset.done $0x0  }
0x182: {  	s19 =	rddreg [dreg:$0x10];
	[sflag:s6] =	ssyncadd.s32 $0xFFFFE000  }
0x183: {  	[hbm4b:s19+s2] =	stream.linear.scatter [tilespmem:s3], [sflag:$0x4], $0x8000, $0x38;
	[tilespmem:$0x18E00] =	vst v63  }
0x184: {  	_ =	swait.ge [sflag:s14], $0x8000  }
0x185: {  	[sflag:s14] =	ssyncset.done $0x0  }
0x186: {  	p1 =	sne.s32 s0, $0x1;
	[sflag:s14] =	ssyncadd.s32 $0xFFFF8000  }
.Ltmp2:
0x187: {  	_ =	swait.ge [sflag:s12], $0x8000;
	(pc) =	sbr.rel @p1 .LBB2_4-.Ltmp2, $4  }
0x188: {  	[sflag:s12] =	ssyncset.done $0x0  }
0x189: {  	[sflag:s12] =	ssyncadd.s32 $0xFFFF8000  }
0x18a: {  	_ =	swait.ge [sflag:s8], $0x8000  }
0x18b: {  	s0 =	sadd.s32 $0xFFFFFFFF, s0;
	s1 =	rddreg [dreg:$0x7];
	[sflag:s8] =	ssyncset.done $0x0  }
0x18c: {  	s22 =	simm.s32 $0xD00  }
0x18d: {  	s21 =	simm.s32 $0xC80;
	s20 =	simm.s32 $0xC00;
	s19 =	rddreg [dreg:$0x6]  }
.LBB2_6:
0x18e: {  	[sflag:s8] =	ssyncadd.s32 @p0 $0xFFFF8000  }
0x18f: {  	[tilespmem:s2], [sflag:$0x7] =	stream.linear.gather [hbm4b:s1+s2], $0x200, $0x38;
	[tilespmem:$0x18E00] =	vst v63  }
0x190: {  	_ =	swait.ge [sflag:s31], $0x200  }
0x191: {  	[sflag:s31] =	ssyncset.done $0x0  }
0x192: {  	s0 =	rddreg [dreg:$0x8];
	[sflag:s31] =	ssyncadd.s32 $0xFFFFFE00  }
0x193: {  	[tilespmem:s30], [sflag:$0x7] =	stream.linear.gather [hbm4b:s0+s2], $0x200, $0x38;
	[tilespmem:$0x18E00] =	vst v63  }
0x194: {  	_ =	swait.ge [sflag:s31], $0x200  }
0x195: {  	[sflag:s31] =	ssyncset.done $0x0  }
0x196: {  	s1 =	rddreg [dreg:$0x9];
	[sflag:s31] =	ssyncadd.s32 $0xFFFFFE00  }
0x197: {  	[tilespmem:s29], [sflag:$0x7] =	stream.linear.gather [hbm4b:s1+s2], $0xA00, $0x38;
	[tilespmem:$0x18E00] =	vst v63  }
0x198: {  	_ =	swait.ge [sflag:s31], $0xA00  }
0x199: {  	[sflag:s31] =	ssyncset.done $0x0  }
0x19a: {  	[sflag:s31] =	ssyncadd.s32 $0xFFFFF600  }
0x19b: {  	[tilespmem:s3], [sflag:$0x1] =	stream.indirect.gather [hbm4b:s28+s5], $0x40, s2, s5, $0xb8;
	[tilespmem:$0x18E00] =	vst v63  }
0x19c: {  	_ = 	snop  }
0x19d: {  	[tilespmem:s7], [sflag:$0x1] =	stream.indirect.gather [hbm4b:s28+s5], $0x40, s5, s5, $0xb8;
	[tilespmem:$0x18E00] =	vst v63  }
0x19e: {  	s1 =	rddreg [dreg:$0x11]  }
0x19f: {  	[tilespmem:s9], [sflag:$0x1] =	stream.indirect.gather [hbm4b:s28+s5], $0x40, s1, s5, $0xb8;
	[tilespmem:$0x18E00] =	vst v63  }
0x1a0: {  	s31 =	rddreg [dreg:$0x12]  }
0x1a1: {  	[tilespmem:s10], [sflag:$0x1] =	stream.indirect.gather [hbm4b:s28+s5], $0x40, s31, s5, $0xb8;
	[tilespmem:$0x18E00] =	vst v63  }
0x1a2: {  	_ = 	snop  }
0x1a3: {  	[tilespmem:s13], [sflag:$0x2] =	stream.indirect.gather [hbm4b:s4+s5], $0x40, s30, s5, $0xb8;
	[tilespmem:$0x18E00] =	vst v63  }
0x1a4: {  	s28 =	rddreg [dreg:$0x13]  }
0x1a5: {  	[tilespmem:s24], [sflag:$0x2] =	stream.indirect.gather [hbm4b:s4+s5], $0x40, s28, s5, $0xb8;
	[tilespmem:$0x18E00] =	vst v63  }
0x1a6: {  	s30 =	rddreg [dreg:$0x14]  }
0x1a7: {  	[tilespmem:s25], [sflag:$0x2] =	stream.indirect.gather [hbm4b:s4+s5], $0x40, s30, s5, $0xb8;
	[tilespmem:$0x18E00] =	vst v63  }
0x1a8: {  	s31 =	rddreg [dreg:$0x15]  }
0x1a9: {  	[tilespmem:s26], [sflag:$0x2] =	stream.indirect.gather [hbm4b:s4+s5], $0x40, s31, s5, $0xb8;
	[tilespmem:$0x18E00] =	vst v63  }
0x1aa: {  	_ =	swait.ge [sflag:s6], $0x2000  }
0x1ab: {  	[sflag:s6] =	ssyncset.done $0x0  }
0x1ac: {  	[sflag:s6] =	ssyncadd.s32 $0xFFFFE000  }
0x1ad: {  	_ =	swait.ge [sflag:s6], $0x2000  }
0x1ae: {  	[sflag:s6] =	ssyncset.done $0x0  }
0x1af: {  	[sflag:s6] =	ssyncadd.s32 $0xFFFFE000  }
0x1b0: {  	_ =	swait.ge [sflag:s6], $0x2000  }
0x1b1: {  	[sflag:s6] =	ssyncset.done $0x0  }
0x1b2: {  	[sflag:s6] =	ssyncadd.s32 $0xFFFFE000  }
0x1b3: {  	_ =	swait.ge [sflag:s6], $0x2000  }
0x1b4: {  	[sflag:s6] =	ssyncset.done $0x0  }
0x1b5: {  	s1 =	rddreg [dreg:$0xa];
	[sflag:s6] =	ssyncadd.s32 $0xFFFFE000  }
0x1b6: {  	[hbm4b:s1+s2] =	stream.linear.scatter [tilespmem:s3], [sflag:$0x4], $0x8000, $0x38;
	[tilespmem:$0x18E00] =	vst v63  }
0x1b7: {  	_ = 	snop  }
0x1b8: {  	[tilespmem:s11], [sflag:$0x3] =	stream.indirect.gather [hbm4b:s4+s5], $0x40, s29, s5, $0xb8;
	[tilespmem:$0x18E00] =	vst v63  }
0x1b9: {  	s28 =	rddreg [dreg:$0x16]  }
0x1ba: {  	[tilespmem:s17], [sflag:$0x3] =	stream.indirect.gather [hbm4b:s4+s5], $0x40, s28, s5, $0xb8;
	[tilespmem:$0x18E00] =	vst v63  }
0x1bb: {  	s30 =	rddreg [dreg:$0x17]  }
0x1bc: {  	[tilespmem:s18], [sflag:$0x3] =	stream.indirect.gather [hbm4b:s4+s5], $0x40, s30, s5, $0xb8;
	[tilespmem:$0x18E00] =	vst v63  }
0x1bd: {  	s31 =	rddreg [dreg:$0x18]  }
0x1be: {  	[tilespmem:s23], [sflag:$0x3] =	stream.indirect.gather [hbm4b:s4+s5], $0x40, s31, s5, $0xb8;
	[tilespmem:$0x18E00] =	vst v63  }
0x1bf: {  	_ =	swait.ge [sflag:s16], $0x2000  }
0x1c0: {  	[sflag:s16] =	ssyncset.done $0x0  }
0x1c1: {  	[sflag:s16] =	ssyncadd.s32 $0xFFFFE000  }
0x1c2: {  	_ =	swait.ge [sflag:s16], $0x2000  }
0x1c3: {  	[sflag:s16] =	ssyncset.done $0x0  }
0x1c4: {  	[sflag:s16] =	ssyncadd.s32 $0xFFFFE000  }
0x1c5: {  	_ =	swait.ge [sflag:s16], $0x2000  }
0x1c6: {  	[sflag:s16] =	ssyncset.done $0x0  }
0x1c7: {  	[sflag:s16] =	ssyncadd.s32 $0xFFFFE000  }
0x1c8: {  	_ =	swait.ge [sflag:s16], $0x2000  }
0x1c9: {  	[sflag:s16] =	ssyncset.done $0x0  }
0x1ca: {  	s1 =	rddreg [dreg:$0xb];
	[sflag:s16] =	ssyncadd.s32 $0xFFFFE000  }
0x1cb: {  	[hbm4b:s1+s2] =	stream.linear.scatter [tilespmem:s13], [sflag:$0x5], $0x8000, $0x38;
	[tilespmem:$0x18E00] =	vst v63  }
0x1cc: {  	_ =	swait.ge [sflag:s8], $0x8000  }
0x1cd: {  	[sflag:s8] =	ssyncset.done $0x0  }
0x1ce: {  	s28 =	rddreg [dreg:$0x19];
	[sflag:s8] =	ssyncadd.s32 $0xFFFF8000  }
0x1cf: {  	[tilespmem:s3], [sflag:$0x1] =	stream.indirect.gather [hbm4b:s4+s5], $0x40, s28, s5, $0xb8;
	[tilespmem:$0x18E00] =	vst v63  }
0x1d0: {  	s29 =	rddreg [dreg:$0x1a]  }
0x1d1: {  	[tilespmem:s7], [sflag:$0x1] =	stream.indirect.gather [hbm4b:s4+s5], $0x40, s29, s5, $0xb8;
	[tilespmem:$0x18E00] =	vst v63  }
0x1d2: {  	s30 =	rddreg [dreg:$0x1b]  }
0x1d3: {  	[tilespmem:s9], [sflag:$0x1] =	stream.indirect.gather [hbm4b:s4+s5], $0x40, s30, s5, $0xb8;
	[tilespmem:$0x18E00] =	vst v63  }
0x1d4: {  	s31 =	rddreg [dreg:$0x1c]  }
0x1d5: {  	[tilespmem:s10], [sflag:$0x1] =	stream.indirect.gather [hbm4b:s4+s5], $0x40, s31, s5, $0xb8;
	[tilespmem:$0x18E00] =	vst v63  }
0x1d6: {  	_ =	swait.ge [sflag:s15], $0x2000  }
0x1d7: {  	[sflag:s15] =	ssyncset.done $0x0  }
0x1d8: {  	[sflag:s15] =	ssyncadd.s32 $0xFFFFE000  }
0x1d9: {  	_ =	swait.ge [sflag:s15], $0x2000  }
0x1da: {  	[sflag:s15] =	ssyncset.done $0x0  }
0x1db: {  	[sflag:s15] =	ssyncadd.s32 $0xFFFFE000  }
0x1dc: {  	_ =	swait.ge [sflag:s15], $0x2000  }
0x1dd: {  	[sflag:s15] =	ssyncset.done $0x0  }
0x1de: {  	[sflag:s15] =	ssyncadd.s32 $0xFFFFE000  }
0x1df: {  	_ =	swait.ge [sflag:s15], $0x2000  }
0x1e0: {  	[sflag:s15] =	ssyncset.done $0x0  }
0x1e1: {  	s28 =	rddreg [dreg:$0xc];
	[sflag:s15] =	ssyncadd.s32 $0xFFFFE000  }
0x1e2: {  	[hbm4b:s28+s2] =	stream.linear.scatter [tilespmem:s11], [sflag:$0x6], $0x8000, $0x38;
	[tilespmem:$0x18E00] =	vst v63  }
0x1e3: {  	_ =	swait.ge [sflag:s14], $0x8000  }
0x1e4: {  	s29 =	rddreg [dreg:$0x1d];
	[sflag:s14] =	ssyncset.done $0x0  }
0x1e5: {  	s30 =	rddreg [dreg:$0x1e];
	[sflag:s14] =	ssyncadd.s32 $0xFFFF8000  }
0x1e6: {  	[tilespmem:s13], [sflag:$0x2] =	stream.indirect.gather [hbm4b:s4+s5], $0x40, s29, s5, $0xb8;
	[tilespmem:$0x18E00] =	vst v63  }
0x1e7: {  	s31 =	rddreg [dreg:$0x1f]  }
0x1e8: {  	[tilespmem:s24], [sflag:$0x2] =	stream.indirect.gather [hbm4b:s4+s5], $0x40, s30, s5, $0xb8;
	[tilespmem:$0x18E00] =	vst v63  }
0x1e9: {  	s28 =	sld [smem:$0x7F9]  }
0x1ea: {  	[tilespmem:s25], [sflag:$0x2] =	stream.indirect.gather [hbm4b:s4+s5], $0x40, s31, s5, $0xb8;
	[tilespmem:$0x18E00] =	vst v63  }
0x1eb: {  	_ = 	snop  }
0x1ec: {  	[tilespmem:s26], [sflag:$0x2] =	stream.indirect.gather [hbm4b:s4+s5], $0x40, s28, s5, $0xb8;
	[tilespmem:$0x18E00] =	vst v63  }
0x1ed: {  	_ =	swait.ge [sflag:s6], $0x2000  }
0x1ee: {  	[sflag:s6] =	ssyncset.done $0x0  }
0x1ef: {  	[sflag:s6] =	ssyncadd.s32 $0xFFFFE000  }
0x1f0: {  	_ =	swait.ge [sflag:s6], $0x2000  }
0x1f1: {  	[sflag:s6] =	ssyncset.done $0x0  }
0x1f2: {  	[sflag:s6] =	ssyncadd.s32 $0xFFFFE000  }
0x1f3: {  	_ =	swait.ge [sflag:s6], $0x2000  }
0x1f4: {  	[sflag:s6] =	ssyncset.done $0x0  }
0x1f5: {  	[sflag:s6] =	ssyncadd.s32 $0xFFFFE000  }
0x1f6: {  	_ =	swait.ge [sflag:s6], $0x2000  }
0x1f7: {  	[sflag:s6] =	ssyncset.done $0x0  }
0x1f8: {  	s29 =	rddreg [dreg:$0xd];
	[sflag:s6] =	ssyncadd.s32 $0xFFFFE000  }
0x1f9: {  	[hbm4b:s29+s2] =	stream.linear.scatter [tilespmem:s3], [sflag:$0x4], $0x8000, $0x38;
	[tilespmem:$0x18E00] =	vst v63  }
0x1fa: {  	_ =	swait.ge [sflag:s12], $0x8000  }
0x1fb: {  	s30 =	sld [smem:$0x7FA]  }
0x1fc: {  	[sflag:s12] =	ssyncset.done $0x0  }
0x1fd: {  	s31 =	sld [smem:$0x7FB];
	[sflag:s12] =	ssyncadd.s32 $0xFFFF8000  }
0x1fe: {  	[tilespmem:s11], [sflag:$0x3] =	stream.indirect.gather [hbm4b:s4+s5], $0x40, s30, s5, $0xb8;
	[tilespmem:$0x18E00] =	vst v63  }
0x1ff: {  	s24 =	sld [smem:$0x7FC]  }
0x200: {  	[tilespmem:s17], [sflag:$0x3] =	stream.indirect.gather [hbm4b:s4+s5], $0x40, s31, s5, $0xb8;
	[tilespmem:$0x18E00] =	vst v63  }
0x201: {  	s25 =	sld [smem:$0x7FD]  }
0x202: {  	[tilespmem:s18], [sflag:$0x3] =	stream.indirect.gather [hbm4b:s4+s5], $0x40, s24, s5, $0xb8;
	[tilespmem:$0x18E00] =	vst v63  }
0x203: {  	_ = 	snop  }
0x204: {  	[tilespmem:s23], [sflag:$0x3] =	stream.indirect.gather [hbm4b:s4+s5], $0x40, s25, s5, $0xb8;
	[tilespmem:$0x18E00] =	vst v63  }
0x205: {  	_ =	swait.ge [sflag:s16], $0x2000  }
0x206: {  	[sflag:s16] =	ssyncset.done $0x0  }
0x207: {  	[sflag:s16] =	ssyncadd.s32 $0xFFFFE000  }
0x208: {  	_ =	swait.ge [sflag:s16], $0x2000  }
0x209: {  	[sflag:s16] =	ssyncset.done $0x0  }
0x20a: {  	[sflag:s16] =	ssyncadd.s32 $0xFFFFE000  }
0x20b: {  	_ =	swait.ge [sflag:s16], $0x2000  }
0x20c: {  	[sflag:s16] =	ssyncset.done $0x0  }
0x20d: {  	[sflag:s16] =	ssyncadd.s32 $0xFFFFE000  }
0x20e: {  	_ =	swait.ge [sflag:s16], $0x2000  }
0x20f: {  	[sflag:s16] =	ssyncset.done $0x0  }
0x210: {  	s26 =	rddreg [dreg:$0xe];
	[sflag:s16] =	ssyncadd.s32 $0xFFFFE000  }
0x211: {  	[hbm4b:s26+s2] =	stream.linear.scatter [tilespmem:s13], [sflag:$0x5], $0x8000, $0x38;
	[tilespmem:$0x18E00] =	vst v63  }
0x212: {  	_ =	swait.ge [sflag:s8], $0x8000  }
0x213: {  	[sflag:s8] =	ssyncset.done $0x0  }
0x214: {  	[sflag:s8] =	ssyncadd.s32 $0xFFFF8000  }
0x215: {  	[tilespmem:s3], [sflag:$0x1] =	stream.indirect.gather [hbm4b:s4+s5], $0x40, s20, s5, $0xb8;
	[tilespmem:$0x18E00] =	vst v63  }
0x216: {  	_ = 	snop  }
0x217: {  	[tilespmem:s7], [sflag:$0x1] =	stream.indirect.gather [hbm4b:s4+s5], $0x40, s21, s5, $0xb8;
	[tilespmem:$0x18E00] =	vst v63  }
0x218: {  	_ = 	snop  }
0x219: {  	[tilespmem:s9], [sflag:$0x1] =	stream.indirect.gather [hbm4b:s4+s5], $0x40, s22, s5, $0xb8;
	[tilespmem:$0x18E00] =	vst v63  }
0x21a: {  	s28 =	simm.s32 $0xD80  }
0x21b: {  	[tilespmem:s10], [sflag:$0x1] =	stream.indirect.gather [hbm4b:s4+s5], $0x40, s28, s5, $0xb8;
	[tilespmem:$0x18E00] =	vst v63  }
0x21c: {  	_ =	swait.ge [sflag:s15], $0x2000  }
0x21d: {  	[sflag:s15] =	ssyncset.done $0x0  }
0x21e: {  	[sflag:s15] =	ssyncadd.s32 $0xFFFFE000  }
0x21f: {  	_ =	swait.ge [sflag:s15], $0x2000  }
0x220: {  	[sflag:s15] =	ssyncset.done $0x0  }
0x221: {  	[sflag:s15] =	ssyncadd.s32 $0xFFFFE000  }
0x222: {  	_ =	swait.ge [sflag:s15], $0x2000  }
0x223: {  	[sflag:s15] =	ssyncset.done $0x0  }
0x224: {  	[sflag:s15] =	ssyncadd.s32 $0xFFFFE000  }
0x225: {  	_ =	swait.ge [sflag:s15], $0x2000  }
0x226: {  	[sflag:s15] =	ssyncset.done $0x0  }
0x227: {  	s29 =	rddreg [dreg:$0xf];
	[sflag:s15] =	ssyncadd.s32 $0xFFFFE000  }
0x228: {  	[hbm4b:s29+s2] =	stream.linear.scatter [tilespmem:s11], [sflag:$0x6], $0x8000, $0x38;
	[tilespmem:$0x18E00] =	vst v63  }
0x229: {  	_ =	swait.ge [sflag:s6], $0x2000  }
0x22a: {  	[sflag:s6] =	ssyncset.done $0x0  }
0x22b: {  	[sflag:s6] =	ssyncadd.s32 $0xFFFFE000  }
0x22c: {  	_ =	swait.ge [sflag:s6], $0x2000  }
0x22d: {  	[sflag:s6] =	ssyncset.done $0x0  }
0x22e: {  	[sflag:s6] =	ssyncadd.s32 $0xFFFFE000  }
0x22f: {  	_ =	swait.ge [sflag:s6], $0x2000  }
0x230: {  	[sflag:s6] =	ssyncset.done $0x0  }
0x231: {  	[sflag:s6] =	ssyncadd.s32 $0xFFFFE000  }
0x232: {  	_ =	swait.ge [sflag:s6], $0x2000  }
0x233: {  	[sflag:s6] =	ssyncset.done $0x0  }
0x234: {  	s30 =	rddreg [dreg:$0x10];
	[sflag:s6] =	ssyncadd.s32 $0xFFFFE000  }
0x235: {  	[hbm4b:s30+s2] =	stream.linear.scatter [tilespmem:s3], [sflag:$0x4], $0x8000, $0x38;
	[tilespmem:$0x18E00] =	vst v63  }
0x236: {  	_ =	swait.ge [sflag:s14], $0x8000  }
0x237: {  	[sflag:s14] =	ssyncset.done $0x0  }
0x238: {  	[sflag:s14] =	ssyncadd.s32 $0xFFFF8000  }
0x239: {  	_ =	swait.ge [sflag:s12], $0x8000  }
0x23a: {  	[sflag:s12] =	ssyncset.done $0x0  }
0x23b: {  	[sflag:s12] =	ssyncadd.s32 $0xFFFF8000  }
0x23c: {  	_ =	swait.ge [sflag:s8], $0x8000  }
0x23d: {  	[sflag:s8] =	ssyncset.done $0x0  }
0x23e: {  	[sflag:s8] =	ssyncadd.s32 $0xFFFF8000  }
0x23f: {  	_ =	sfence.sel $0x180000  }
0x240: {  	s31 =	stileid.u32;
	[bflag:$0x0] =	sbarrier.arrive $0xFFFF  }
0x241: {  	p0 =	sne.s32 s31, $0x0;
	_ =	strace $0x90000047  }
0x242: {  	s0 =	sadd.s32 @!p0 $0x100000, s19;
	[bflag:$0x2] =	sbarrier.arrive $0xFFFF  }
0x243: {  	[sflag:s0] =	ssyncadd.tile.s32 @!p0 $0x1;
	_ =	shalt  }
.LBB2_1:
.Ltmp3:
0x244: {  	(pc) =	sbr.rel .LBB2_6-.Ltmp3, $2  }
0x245: {  	_ =	sdelay $0x2  }
0x246: {  	s22 =	simm.s32 $0xD00;
	s21 =	simm.s32 $0xC80;
	s20 =	simm.s32 $0xC00  }
.LBB2_3:
.Ltmp4:
0x247: {  	(pc) =	sbr.rel .LBB2_6-.Ltmp4, $3  }
0x248: {  	_ =	sdelay $0x1  }
0x249: {  	s22 =	simm.s32 $0xD00  }
0x24a: {  	s21 =	simm.s32 $0xC80;
	s20 =	simm.s32 $0xC00;
	s19 =	rddreg [dreg:$0x6]  }
.Lfunc_end2:
_tile_overlayer_lowered:
.L_overlay_start_2:
0x24b: {  	(tag) =	ssettag $0x2  }
0x24c: {  	s0 =	rddreg [dreg:$0x0];
	s2 =	stileid.u32  }
0x24d: {  	s1 =	rddreg [dreg:$0x1];
	p0 =	sne.s32 s2, $0x0  }
0x24e: {  	s3 =	rddreg [dreg:$0x2];
	[bflag:$0x3] =	sbarrier.arrive $0xFFFF;
	s2 =	simm.s32 @!p0 $0x1C07  }
0x24f: {  	[timem:s3], [sflag:s2] =	dma.local @!p0 [hbm:s0], s1  }
0x250: {  	s0 =	simm.s32 @!p0 $0x7  }
0x251: {  	_ =	swait.ge @!p0 [sflag:s0], s1  }
0x252: {  	s1 =	ssub.s32 @!p0 $0x0, s1;
	[sflag:s0] =	ssyncset.done @!p0 $0x0  }
0x253: {  	[sflag:s0] =	ssyncadd.s32 @!p0 s1  }
0x254: {  	[bflag:$0x3] =	sbarrier.arrive $0xFFFF  }
0x255: {  	_ =	shalt  }

</sc_bundles>
